<compile_context>
chip_gen: v7x
topology: tpu7x:2x2x1
jax: 0.10.2.dev20260603
libtpu: 0.0.44.dev20260713+nightly
codegen_flags: <defaults>
</compile_context>

<pallas_src>
import functools

import numpy as np
import jax
import jax.numpy as jnp
from jax import lax
from jax.experimental import pallas as pl
from jax.experimental.pallas import tpu as pltpu
from jax.experimental.pallas import tpu_sc as plsc

_NUM_HEADS = 12
_T = 4
_CHUNK = 128
_S = 2048
_D = 768
_DH = _D // _NUM_HEADS
_NCH = _S // _CHUNK
_S_TILE = 1024
_N_STILES = _S // _S_TILE
_V_TILE = 1024

_ALPHAS = tuple(
    float(a) for a in np.clip(np.linspace(0.1, 1.0, _T), 0.1, 0.9).astype(np.float32)
)

_HEAD_E = 64.0 * (
    np.arange(_D)[:, None] // _DH == np.arange(2 * _CHUNK)[None, :]
).astype(np.float32)
_HEAD_B = (
    np.arange(2 * _CHUNK)[:, None] == np.arange(_D)[None, :] // _DH
).astype(np.float32)

_STACK_MASK = 1e4 * (
    np.arange(2 * _CHUNK)[None, :] - _CHUNK
    == np.arange(_NUM_HEADS * _CHUNK)[:, None] % _CHUNK
).astype(np.float32)


def _sc_gather(embedding, ids):
    info = plsc.get_sparse_core_info()
    nw = info.num_cores * info.num_subcores
    b_per_w = _S // nw
    mesh = plsc.VectorSubcoreMesh(core_axis_name="c", subcore_axis_name="s")

    half = b_per_w // 2

    @functools.partial(
        pl.kernel,
        mesh=mesh,
        out_type=jax.ShapeDtypeStruct((_S, _D), jnp.float32),
        scratch_types=[
            pltpu.VMEM((b_per_w,), jnp.int32),
            pltpu.VMEM((half, _D), jnp.float32),
            pltpu.VMEM((half, _D), jnp.float32),
            pltpu.SemaphoreType.DMA,
            pltpu.SemaphoreType.DMA,
        ],
    )
    def gather_kernel(table_hbm, idx_hbm, out_hbm, idx_v, rows_a, rows_b,
                      sem_a, sem_b):
        wid = lax.axis_index("s") * info.num_cores + lax.axis_index("c")
        base = wid * b_per_w
        pltpu.sync_copy(idx_hbm.at[pl.ds(base, b_per_w)], idx_v)
        cp_a = pltpu.async_copy(
            table_hbm.at[idx_v.at[pl.ds(0, half)]], rows_a, sem_a)
        cp_b = pltpu.async_copy(
            table_hbm.at[idx_v.at[pl.ds(half, half)]], rows_b, sem_b)
        cp_a.wait()
        pltpu.sync_copy(rows_a, out_hbm.at[pl.ds(base, half)])
        cp_b.wait()
        pltpu.sync_copy(rows_b, out_hbm.at[pl.ds(base + half, half)])

    return gather_kernel(embedding, ids)


def _diffusion_body(
    temb_ref, wqk_ref, wv_ref, wo_ref, noise_ref, h0_ref, pos_ref,
    lng_ref, lnb_ref, he_ref, hb_ref, mask_ref, out_ref, h_s, qk_s, kh_s, v_s, ao_s,
):
    t = pl.program_id(0)

    @pl.when(t == 0)
    def _init():
        h_s[...] = h0_ref[...] + pos_ref[...]

    for i in range(_N_STILES):
        off = i * _S_TILE
        h_tile = h_s[pl.ds(off, _S_TILE), :] + temb_ref[0]
        h_s[pl.ds(off, _S_TILE), :] = h_tile
        hb = h_tile.astype(jnp.bfloat16)
        qk = jnp.dot(hb, wqk_ref[0], preferred_element_type=jnp.float32)
        v = jnp.dot(hb, wv_ref[0], preferred_element_type=jnp.float32)
        qk_s[pl.ds(off, _S_TILE), :] = qk.astype(jnp.bfloat16)
        v_s[pl.ds(off, _S_TILE), :] = v.astype(jnp.bfloat16)
        qk2 = (qk * qk).astype(jnp.bfloat16)
        n12 = jnp.dot(qk2, he_ref[...], preferred_element_type=jnp.float32)
        inv12 = lax.rsqrt(n12 + jnp.float32(6.4e-11)).astype(jnp.bfloat16)
        inv = jnp.dot(inv12, hb_ref[...], preferred_element_type=jnp.float32)
        kh_s[pl.ds(off, _S_TILE), :] = (qk * inv).astype(jnp.bfloat16)

    mask_all = mask_ref[...]

    def one_chunk(off, poff):
        q_all = qk_s[pl.ds(off, _CHUNK), :]
        k_all = jnp.concatenate(
            [kh_s[pl.ds(poff, _CHUNK), :], kh_s[pl.ds(off, _CHUNK), :]],
            axis=0,
        )
        v_all = jnp.concatenate(
            [v_s[pl.ds(poff, _CHUNK), :], v_s[pl.ds(off, _CHUNK), :]],
            axis=0,
        )
        s_parts = []
        for h_i in range(_NUM_HEADS):
            cs = h_i * _DH
            s_parts.append(
                lax.dot_general(
                    q_all[:, cs:cs + _DH], k_all[:, cs:cs + _DH],
                    (((1,), (1,)), ((), ())),
                    preferred_element_type=jnp.float32,
                ).astype(jnp.bfloat16)
            )
        s_all = jnp.concatenate(s_parts, axis=0) - mask_all
        e16 = jnp.exp(s_all)
        r_all = jnp.float32(1.0) / jnp.sum(
            e16, axis=1, keepdims=True, dtype=jnp.float32)
        o_parts = []
        for h_i in range(_NUM_HEADS):
            cs = h_i * _DH
            o = jnp.dot(e16[h_i * _CHUNK:(h_i + 1) * _CHUNK, :],
                        v_all[:, cs:cs + _DH],
                        preferred_element_type=jnp.float32)
            o = o * r_all[h_i * _CHUNK:(h_i + 1) * _CHUNK, :]
            o_parts.append(o.astype(jnp.bfloat16))
        ao_s[pl.ds(off, _CHUNK), :] = jnp.concatenate(o_parts, axis=1)

    def stage_b(c, carry):
        off = c * _CHUNK
        one_chunk(off, lax.rem(off + _S - _CHUNK, _S))
        return carry

    lax.fori_loop(0, _NCH, stage_b, 0)

    alpha = jnp.float32(_ALPHAS[0])
    for i in range(1, _T):
        alpha = jnp.where(t == i, jnp.float32(_ALPHAS[i]), alpha)

    for i in range(_N_STILES):
        off = i * _S_TILE
        proj = jnp.dot(
            ao_s[pl.ds(off, _S_TILE), :], wo_ref[0],
            preferred_element_type=jnp.float32,
        )
        hh = h_s[pl.ds(off, _S_TILE), :] + proj
        mu = jnp.mean(hh, axis=1, keepdims=True)
        d = hh - mu
        var = jnp.mean(d * d, axis=1, keepdims=True)
        hln = d / jnp.sqrt(var + 1e-5) * lng_ref[...] + lnb_ref[...]
        hn = hln + alpha * noise_ref[0, pl.ds(off, _S_TILE), :]
        h_s[pl.ds(off, _S_TILE), :] = hn
        out_ref[pl.ds(off, _S_TILE), :] = hn.astype(jnp.bfloat16)


def _diffuse(h0, pos, temb, wqk16, wv16, wo16, noise, lng, lnb, he16, hb16, mask2):
    return pl.pallas_call(
        _diffusion_body,
        grid=(_T,),
        in_specs=[
            pl.BlockSpec((1, 1, _D), lambda t: (t, 0, 0)),
            pl.BlockSpec((1, _D, _D), lambda t: (t, 0, 0)),
            pl.BlockSpec((1, _D, _D), lambda t: (t, 0, 0)),
            pl.BlockSpec((1, _D, _D), lambda t: (t, 0, 0)),
            pl.BlockSpec((1, _S, _D), lambda t: (t, 0, 0)),
            pl.BlockSpec((_S, _D), lambda t: (0, 0)),
            pl.BlockSpec((_S, _D), lambda t: (0, 0)),
            pl.BlockSpec((1, _D), lambda t: (0, 0)),
            pl.BlockSpec((1, _D), lambda t: (0, 0)),
            pl.BlockSpec((_D, 2 * _CHUNK), lambda t: (0, 0)),
            pl.BlockSpec((2 * _CHUNK, _D), lambda t: (0, 0)),
            pl.BlockSpec((_NUM_HEADS * _CHUNK, 2 * _CHUNK), lambda t: (0, 0)),
        ],
        out_specs=pl.BlockSpec((_S, _D), lambda t: (0, 0)),
        out_shape=jax.ShapeDtypeStruct((_S, _D), jnp.bfloat16),
        scratch_shapes=[
            pltpu.VMEM((_S, _D), jnp.float32),
            pltpu.VMEM((_S, _D), jnp.bfloat16),
            pltpu.VMEM((_S, _D), jnp.bfloat16),
            pltpu.VMEM((_S, _D), jnp.bfloat16),
            pltpu.VMEM((_S, _D), jnp.bfloat16),
        ],
        compiler_params=pltpu.CompilerParams(
            dimension_semantics=("arbitrary",),
            vmem_limit_bytes=64 * 1024 * 1024,
        ),
    )(temb, wqk16, wv16, wo16, noise, h0, pos, lng, lnb, he16, hb16, mask2)


def _proj_body(h_ref, w_ref, b_ref, out_ref):
    out_ref[...] = (
        jnp.dot(h_ref[...], w_ref[...].astype(jnp.bfloat16),
                preferred_element_type=jnp.float32)
        + b_ref[...]
    )


def _project(h16, w16, b, vocab):
    return pl.pallas_call(
        _proj_body,
        grid=(vocab // _V_TILE,),
        in_specs=[
            pl.BlockSpec((_S, _D), lambda i: (0, 0)),
            pl.BlockSpec((_D, _V_TILE), lambda i: (0, i)),
            pl.BlockSpec((1, _V_TILE), lambda i: (0, i)),
        ],
        out_specs=pl.BlockSpec((_S, _V_TILE), lambda i: (0, i)),
        out_shape=jax.ShapeDtypeStruct((_S, vocab), jnp.float32),
        compiler_params=pltpu.CompilerParams(
            dimension_semantics=("arbitrary",),
        ),
    )(h16, w16, b)


def kernel(input_ids, embedding, pos_enc, time_emb, Wqk, Wv, Wo, Wout, bout,
           ln_g, ln_b, noise):
    vocab = Wout.shape[1]
    ids = input_ids.reshape(-1).astype(jnp.int32)
    h0 = _sc_gather(embedding, ids)
    h_fin = _diffuse(
        h0,
        pos_enc[:_S],
        time_emb.reshape(_T, 1, _D),
        Wqk.astype(jnp.bfloat16),
        Wv.astype(jnp.bfloat16),
        Wo.astype(jnp.bfloat16),
        noise.reshape(_T, _S, _D),
        ln_g.reshape(1, _D),
        ln_b.reshape(1, _D),
        jnp.asarray(_HEAD_E, dtype=jnp.bfloat16),
        jnp.asarray(_HEAD_B, dtype=jnp.bfloat16),
        jnp.asarray(_STACK_MASK, dtype=jnp.bfloat16),
    )
    logits = _project(h_fin, Wout, bout.reshape(1, vocab), vocab)
    return logits.reshape(1, _S, vocab)

# --- scband reference (transcript-rebuilt; emitter-appended) ---
"""Pipeline reference for scband-fat-diffuser-60069412602317 (READ-ONLY COPY).

The authoritative reference and input builder live on the scoring server;
editing this copy changes nothing except your own understanding.
"""

import jax, jax.numpy as jnp
import numpy as np

NUM_HEADS = 12
TIMESTEPS = 4
CHUNK = 128


def layer_norm(x, g, b, eps=1e-5):
    mu = x.mean(-1, keepdims=True)
    var = ((x - mu) ** 2).mean(-1, keepdims=True)
    return (x - mu) / jnp.sqrt(var + eps) * g + b


def reformer_attention(h, Wqk, Wv, Wo, num_heads):
    # Shared-QK chunked (Reformer-style) attention: each chunk attends to
    # itself plus the previous chunk; self-attention (i==j) is penalized
    # since queries and keys share the same projection.
    B, S, D = h.shape
    dh = D // num_heads
    qk = h @ Wqk
    v = h @ Wv
    qk = qk.reshape(B, S, num_heads, dh).transpose(0, 2, 1, 3)
    v = v.reshape(B, S, num_heads, dh).transpose(0, 2, 1, 3)
    q = qk
    k = qk / (jnp.linalg.norm(qk, axis=-1, keepdims=True) + 1e-6)
    nc = S // CHUNK
    qc = q.reshape(B, num_heads, nc, CHUNK, dh)
    kc = k.reshape(B, num_heads, nc, CHUNK, dh)
    vc = v.reshape(B, num_heads, nc, CHUNK, dh)
    k_prev = jnp.roll(kc, 1, axis=2)
    v_prev = jnp.roll(vc, 1, axis=2)
    kk = jnp.concatenate([k_prev, kc], axis=3)
    vv = jnp.concatenate([v_prev, vc], axis=3)
    scores = jnp.einsum('bhncd,bhnkd->bhnck', qc, kk) / (dh ** 0.5)
    pos = jnp.arange(S).reshape(nc, CHUNK)
    pos_prev = jnp.roll(pos, 1, axis=0)
    kpos = jnp.concatenate([pos_prev, pos], axis=1)
    self_mask = pos[:, :, None] == kpos[:, None, :]
    scores = jnp.where(self_mask[None, None], scores - 1e5, scores)
    attn = jax.nn.softmax(scores, axis=-1)
    out = jnp.einsum('bhnck,bhnkd->bhncd', attn, vv)
    out = out.reshape(B, num_heads, S, dh).transpose(0, 2, 1, 3).reshape(B, S, D)
    return out @ Wo


def setup_inputs(seed: int = 0):
    key = jax.random.key(seed)
    ks = jax.random.split(key, 12)
    B, S, D, V, T = 1, 2048, 768, 8192, TIMESTEPS
    scale = 0.02
    return {
        'input_ids': jax.random.randint(ks[0], (B, S), 0, V),
        'embedding': jax.random.normal(ks[1], (V, D), dtype=jnp.float32) * scale,
        'pos_enc': jax.random.normal(ks[2], (2048, D), dtype=jnp.float32) * scale,
        'time_emb': jax.random.normal(ks[3], (T, D), dtype=jnp.float32) * scale,
        'Wqk': jax.random.normal(ks[4], (T, D, D), dtype=jnp.float32) * scale,
        'Wv': jax.random.normal(ks[5], (T, D, D), dtype=jnp.float32) * scale,
        'Wo': jax.random.normal(ks[6], (T, D, D), dtype=jnp.float32) * scale,
        'Wout': jax.random.normal(ks[7], (D, V), dtype=jnp.float32) * scale,
        'bout': jnp.zeros((V,), dtype=jnp.float32),
        'ln_g': jnp.ones((D,), dtype=jnp.float32),
        'ln_b': jnp.zeros((D,), dtype=jnp.float32),
        'noise': jax.random.normal(ks[8], (T, B, S, D), dtype=jnp.float32),
    }


def reference(input_ids, embedding, pos_enc, time_emb, Wqk, Wv, Wo, Wout, bout, ln_g, ln_b, noise):
    B, S = input_ids.shape
    h = embedding[input_ids] + pos_enc[:S][None, :, :]
    alphas = jnp.clip(jnp.linspace(0.1, 1.0, TIMESTEPS), 0.1, 0.9)
    logits = None
    for t in range(TIMESTEPS):
        h = h + time_emb[t][None, None, :]
        attn_out = reformer_attention(h, Wqk[t], Wv[t], Wo[t], NUM_HEADS)
        h = h + attn_out
        h = layer_norm(h, ln_g, ln_b)
        h = h + alphas[t] * noise[t]
        logits = h @ Wout + bout
        # early-stop check omitted: with random weights the mean |delta_logits|
        # is >> 1e-4, so _check_early_stopping never triggers a break
    return logits

if __name__ == "__main__":
    import jax
    _d = setup_inputs()
    print(jax.jit(kernel)(*tuple(_d.values())))

</pallas_src>

<mosaic_0001>
#map = affine_map<(d0, d1) -> (0, 0)>
#map1 = affine_map<(d0, d1) -> (0)>
module attributes {stable_mosaic.version = 14 : i64} {
  func.func @gather_kernel(%arg0: i32, %arg1: i32, %arg2: memref<8192x768xf32, #tpu.memory_space<hbm>>, %arg3: memref<2048xi32, #tpu.memory_space<hbm>>, %arg4: memref<2048x768xf32, #tpu.memory_space<hbm>>, %arg5: memref<64xi32, #tpu.memory_space<vmem>>, %arg6: memref<32x768xf32, #tpu.memory_space<vmem>>, %arg7: memref<32x768xf32, #tpu.memory_space<vmem>>, %arg8: memref<!tpu.dma_semaphore, #tpu.memory_space<semaphore_mem>>, %arg9: memref<!tpu.dma_semaphore, #tpu.memory_space<semaphore_mem>>) attributes {dimension_semantics = [#tpu.dimension_semantics<core_parallel>, #tpu.dimension_semantics<subcore_parallel>], iteration_bounds = array<i64: 2, 16>, scalar_prefetch = 0 : i64, scratch_operands = 5 : i64, tpu.core_type = #tpu.core_type<sc_vector_subcore>, window_params = [{transform_indices = #map}, {transform_indices = #map1}, {transform_indices = #map}]} {
    %mul3A = arith.constant 2 : i32
    %mul3A_0 = arith.muli %arg1, %mul3A : i32
    %add3A = arith.addi %mul3A_0, %arg0 : i32
    %mul3A_1 = arith.constant 64 : i32
    %mul3A_2 = arith.muli %add3A, %mul3A_1 : i32
    "tpu.region"() ({
      %run_scoped3A = tpu.sem_alloc : memref<!tpu.dma_semaphore, #tpu.memory_space<semaphore_mem>>
      %dma_start3A_23 = tpu.memref_slice %arg3[%mul3A_2] : memref<2048xi32, #tpu.memory_space<hbm>> -> memref<64xi32, #tpu.memory_space<hbm>>
      %dma_start3A_24 = tpu.memref_slice %arg3[%mul3A_2] : memref<2048xi32, #tpu.memory_space<hbm>> -> memref<64xi32, #tpu.memory_space<hbm>>
      tpu.enqueue_dma source(%dma_start3A_24 : memref<64xi32, #tpu.memory_space<hbm>>) target(%arg5 : memref<64xi32, #tpu.memory_space<vmem>>) target_semaphore(%run_scoped3A : memref<!tpu.dma_semaphore, #tpu.memory_space<semaphore_mem>>)
      %dma_wait3A_25 = tpu.memref_slice %arg3[%mul3A_2] : memref<2048xi32, #tpu.memory_space<hbm>> -> memref<64xi32, #tpu.memory_space<hbm>>
      %dma_wait3A_26 = tpu.memref_slice %arg3[%mul3A_2] : memref<2048xi32, #tpu.memory_space<hbm>> -> memref<64xi32, #tpu.memory_space<hbm>>
      tpu.wait_dma2 semaphore(%run_scoped3A : memref<!tpu.dma_semaphore, #tpu.memory_space<semaphore_mem>>) src(%dma_wait3A_26 : memref<64xi32, #tpu.memory_space<hbm>>) dst(%arg5 : memref<64xi32, #tpu.memory_space<vmem>>)
      tpu.yield
    }) : () -> ()
    %dma_start3A = arith.constant 0 : i32
    %dma_start3A_3 = tpu.memref_slice %arg5[%dma_start3A] : memref<64xi32, #tpu.memory_space<vmem>> -> memref<32xi32, #tpu.memory_space<vmem>>
    %dma_start3A_4 = arith.constant 0 : i32
    %dma_start3A_5 = arith.constant 0 : i32
    %dma_start3A_6 = tpu.memref_slice %arg2[%dma_start3A_4, %dma_start3A_5] : memref<8192x768xf32, #tpu.memory_space<hbm>> -> memref<8192x768xf32, #tpu.memory_space<hbm>>
    tpu.enqueue_indirect_dma source(%dma_start3A_6 : memref<8192x768xf32, #tpu.memory_space<hbm>>) target(%arg6 : memref<32x768xf32, #tpu.memory_space<vmem>>) offsets(%dma_start3A_3 : memref<32xi32, #tpu.memory_space<vmem>>) semaphore(%arg8 : memref<!tpu.dma_semaphore, #tpu.memory_space<semaphore_mem>>)
    %dma_start3A_7 = arith.constant 32 : i32
    %dma_start3A_8 = tpu.memref_slice %arg5[%dma_start3A_7] : memref<64xi32, #tpu.memory_space<vmem>> -> memref<32xi32, #tpu.memory_space<vmem>>
    %dma_start3A_9 = arith.constant 0 : i32
    %dma_start3A_10 = arith.constant 0 : i32
    %dma_start3A_11 = tpu.memref_slice %arg2[%dma_start3A_9, %dma_start3A_10] : memref<8192x768xf32, #tpu.memory_space<hbm>> -> memref<8192x768xf32, #tpu.memory_space<hbm>>
    tpu.enqueue_indirect_dma source(%dma_start3A_11 : memref<8192x768xf32, #tpu.memory_space<hbm>>) target(%arg7 : memref<32x768xf32, #tpu.memory_space<vmem>>) offsets(%dma_start3A_8 : memref<32xi32, #tpu.memory_space<vmem>>) semaphore(%arg9 : memref<!tpu.dma_semaphore, #tpu.memory_space<semaphore_mem>>)
    %dma_wait3A = arith.constant 0 : i32
    %dma_wait3A_12 = tpu.memref_slice %arg5[%dma_wait3A] : memref<64xi32, #tpu.memory_space<vmem>> -> memref<32xi32, #tpu.memory_space<vmem>>
    %dma_wait3A_13 = arith.constant 0 : i32
    %dma_wait3A_14 = arith.constant 0 : i32
    %dma_wait3A_15 = tpu.memref_slice %arg2[%dma_wait3A_13, %dma_wait3A_14] : memref<8192x768xf32, #tpu.memory_space<hbm>> -> memref<8192x768xf32, #tpu.memory_space<hbm>>
    tpu.wait_indirect_dma semaphore(%arg8 : memref<!tpu.dma_semaphore, #tpu.memory_space<semaphore_mem>>) src(%dma_wait3A_15 : memref<8192x768xf32, #tpu.memory_space<hbm>>) dst(%arg6 : memref<32x768xf32, #tpu.memory_space<vmem>>)
    "tpu.region"() ({
      %run_scoped3A = tpu.sem_alloc : memref<!tpu.dma_semaphore, #tpu.memory_space<semaphore_mem>>
      %dma_start3A_23 = arith.constant 0 : i32
      %dma_start3A_24 = tpu.memref_slice %arg4[%mul3A_2, %dma_start3A_23] : memref<2048x768xf32, #tpu.memory_space<hbm>> -> memref<32x768xf32, #tpu.memory_space<hbm>>
      %dma_start3A_25 = arith.constant 0 : i32
      %dma_start3A_26 = tpu.memref_slice %arg4[%mul3A_2, %dma_start3A_25] : memref<2048x768xf32, #tpu.memory_space<hbm>> -> memref<32x768xf32, #tpu.memory_space<hbm>>
      tpu.enqueue_dma source(%arg6 : memref<32x768xf32, #tpu.memory_space<vmem>>) target(%dma_start3A_26 : memref<32x768xf32, #tpu.memory_space<hbm>>) target_semaphore(%run_scoped3A : memref<!tpu.dma_semaphore, #tpu.memory_space<semaphore_mem>>)
      %dma_wait3A_27 = arith.constant 0 : i32
      %dma_wait3A_28 = tpu.memref_slice %arg4[%mul3A_2, %dma_wait3A_27] : memref<2048x768xf32, #tpu.memory_space<hbm>> -> memref<32x768xf32, #tpu.memory_space<hbm>>
      %dma_wait3A_29 = arith.constant 0 : i32
      %dma_wait3A_30 = tpu.memref_slice %arg4[%mul3A_2, %dma_wait3A_29] : memref<2048x768xf32, #tpu.memory_space<hbm>> -> memref<32x768xf32, #tpu.memory_space<hbm>>
      tpu.wait_dma2 semaphore(%run_scoped3A : memref<!tpu.dma_semaphore, #tpu.memory_space<semaphore_mem>>) src(%arg6 : memref<32x768xf32, #tpu.memory_space<vmem>>) dst(%dma_wait3A_30 : memref<32x768xf32, #tpu.memory_space<hbm>>)
      tpu.yield
    }) : () -> ()
    %dma_wait3A_16 = arith.constant 32 : i32
    %dma_wait3A_17 = tpu.memref_slice %arg5[%dma_wait3A_16] : memref<64xi32, #tpu.memory_space<vmem>> -> memref<32xi32, #tpu.memory_space<vmem>>
    %dma_wait3A_18 = arith.constant 0 : i32
    %dma_wait3A_19 = arith.constant 0 : i32
    %dma_wait3A_20 = tpu.memref_slice %arg2[%dma_wait3A_18, %dma_wait3A_19] : memref<8192x768xf32, #tpu.memory_space<hbm>> -> memref<8192x768xf32, #tpu.memory_space<hbm>>
    tpu.wait_indirect_dma semaphore(%arg9 : memref<!tpu.dma_semaphore, #tpu.memory_space<semaphore_mem>>) src(%dma_wait3A_20 : memref<8192x768xf32, #tpu.memory_space<hbm>>) dst(%arg7 : memref<32x768xf32, #tpu.memory_space<vmem>>)
    %add3A_21 = arith.constant 32 : i32
    %add3A_22 = arith.addi %mul3A_2, %add3A_21 : i32
    "tpu.region"() ({
      %run_scoped3A = tpu.sem_alloc : memref<!tpu.dma_semaphore, #tpu.memory_space<semaphore_mem>>
      %dma_start3A_23 = arith.constant 0 : i32
      %dma_start3A_24 = tpu.memref_slice %arg4[%add3A_22, %dma_start3A_23] : memref<2048x768xf32, #tpu.memory_space<hbm>> -> memref<32x768xf32, #tpu.memory_space<hbm>>
      %dma_start3A_25 = arith.constant 0 : i32
      %dma_start3A_26 = tpu.memref_slice %arg4[%add3A_22, %dma_start3A_25] : memref<2048x768xf32, #tpu.memory_space<hbm>> -> memref<32x768xf32, #tpu.memory_space<hbm>>
      tpu.enqueue_dma source(%arg7 : memref<32x768xf32, #tpu.memory_space<vmem>>) target(%dma_start3A_26 : memref<32x768xf32, #tpu.memory_space<hbm>>) target_semaphore(%run_scoped3A : memref<!tpu.dma_semaphore, #tpu.memory_space<semaphore_mem>>)
      %dma_wait3A_27 = arith.constant 0 : i32
      %dma_wait3A_28 = tpu.memref_slice %arg4[%add3A_22, %dma_wait3A_27] : memref<2048x768xf32, #tpu.memory_space<hbm>> -> memref<32x768xf32, #tpu.memory_space<hbm>>
      %dma_wait3A_29 = arith.constant 0 : i32
      %dma_wait3A_30 = tpu.memref_slice %arg4[%add3A_22, %dma_wait3A_29] : memref<2048x768xf32, #tpu.memory_space<hbm>> -> memref<32x768xf32, #tpu.memory_space<hbm>>
      tpu.wait_dma2 semaphore(%run_scoped3A : memref<!tpu.dma_semaphore, #tpu.memory_space<semaphore_mem>>) src(%arg7 : memref<32x768xf32, #tpu.memory_space<vmem>>) dst(%dma_wait3A_30 : memref<32x768xf32, #tpu.memory_space<hbm>>)
      tpu.yield
    }) : () -> ()
    return
  }
}

module attributes {stable_mosaic.version = 14 : i64} {
  func.func @_proj_body(%arg0: i32, %arg1: memref<2048x768xbf16, #tpu.memory_space<vmem>>, %arg2: memref<768x1024xf32, #tpu.memory_space<vmem>>, %arg3: memref<1x1024xf32, #tpu.memory_space<vmem>>, %arg4: memref<2048x1024xf32, #tpu.memory_space<vmem>>) attributes {dimension_semantics = [#tpu.dimension_semantics<arbitrary>], iteration_bounds = array<i64: 8>, scalar_prefetch = 0 : i64, scratch_operands = 0 : i64, tpu.core_type = #tpu.core_type<tc>, window_params = [{pipeline_mode = #tpu.pipeline_mode<synchronous>, transform_indices = @transform_0, window_bounds = array<i64: 2048, 768>}, {transform_indices = @transform_1, window_bounds = array<i64: 768, 1024>}, {transform_indices = @transform_2, window_bounds = array<i64: 1, 1024>}, {transform_indices = @transform_3, window_bounds = array<i64: 2048, 1024>}]} {
    %get3A = arith.constant 0 : index
    %get3A_0 = arith.constant 0 : index
    %get3A_1 = vector.load %arg1[%get3A, %get3A_0] : memref<2048x768xbf16, #tpu.memory_space<vmem>>, vector<2048x768xbf16>
    %get3A_2 = arith.constant 0 : index
    %get3A_3 = arith.constant 0 : index
    %get3A_4 = vector.load %arg2[%get3A_2, %get3A_3] : memref<768x1024xf32, #tpu.memory_space<vmem>>, vector<768x1024xf32>
    %convert_element_type3A = arith.truncf %get3A_4 : vector<768x1024xf32> to vector<768x1024xbf16>
    %dot_general3A = arith.constant dense<0.000000e+00> : vector<2048x1024xf32>
    %dot_general3A_5 = tpu.matmul %get3A_1, %convert_element_type3A, %dot_general3A {dimension_numbers = #tpu.dot_dimension_numbers<[1], [0], [0], [1], [0, 0, 1, 1], [], []>, transpose_lhs_hint = false} : vector<2048x768xbf16>, vector<768x1024xbf16>, vector<2048x1024xf32> -> vector<2048x1024xf32>
    %get3A_6 = arith.constant 0 : index
    %get3A_7 = arith.constant 0 : index
    %get3A_8 = vector.load %arg3[%get3A_6, %get3A_7] : memref<1x1024xf32, #tpu.memory_space<vmem>>, vector<1x1024xf32>
    %add3A = vector.broadcast %get3A_8 : vector<1x1024xf32> to vector<2048x1024xf32>
    %add3A_9 = arith.addf %dot_general3A_5, %add3A : vector<2048x1024xf32>
    %swap3A = arith.constant 0 : index
    %swap3A_10 = arith.constant 0 : index
    %swap3A_11 = vector.load %arg4[%swap3A, %swap3A_10] : memref<2048x1024xf32, #tpu.memory_space<vmem>>, vector<2048x1024xf32>
    tpu.vector_store %arg4[%swap3A, %swap3A_10], %add3A_9 {strides = array<i32>} : memref<2048x1024xf32, #tpu.memory_space<vmem>>, vector<2048x1024xf32>,
    return
  }
  func.func @transform_0(%arg0: i32) -> (i32, i32) {
    %c0_i32 = arith.constant 0 : i32
    %c0_i32_0 = arith.constant 0 : i32
    %c0_i32_1 = arith.constant 0 : i32
    return %c0_i32, %c0_i32_0 : i32, i32
  }
  func.func @transform_1(%arg0: i32) -> (i32, i32) {
    %c0_i32 = arith.constant 0 : i32
    %c0_i32_0 = arith.constant 0 : i32
    return %c0_i32, %arg0 : i32, i32
  }
  func.func @transform_2(%arg0: i32) -> (i32, i32) {
    %c0_i32 = arith.constant 0 : i32
    %c0_i32_0 = arith.constant 0 : i32
    return %c0_i32, %arg0 : i32, i32
  }
  func.func @transform_3(%arg0: i32) -> (i32, i32) {
    %c0_i32 = arith.constant 0 : i32
    %c0_i32_0 = arith.constant 0 : i32
    return %c0_i32, %arg0 : i32, i32
  }
}

module attributes {stable_mosaic.version = 14 : i64} {
  func.func @_diffusion_body(%arg0: i32, %arg1: memref<1x1x768xf32, #tpu.memory_space<vmem>>, %arg2: memref<1x768x768xbf16, #tpu.memory_space<vmem>>, %arg3: memref<1x768x768xbf16, #tpu.memory_space<vmem>>, %arg4: memref<1x768x768xbf16, #tpu.memory_space<vmem>>, %arg5: memref<1x2048x768xf32, #tpu.memory_space<vmem>>, %arg6: memref<2048x768xf32, #tpu.memory_space<vmem>>, %arg7: memref<2048x768xf32, #tpu.memory_space<vmem>>, %arg8: memref<1x768xf32, #tpu.memory_space<vmem>>, %arg9: memref<1x768xf32, #tpu.memory_space<vmem>>, %arg10: memref<768x256xbf16, #tpu.memory_space<vmem>>, %arg11: memref<256x768xbf16, #tpu.memory_space<vmem>>, %arg12: memref<1536x256xbf16, #tpu.memory_space<vmem>>, %arg13: memref<2048x768xbf16, #tpu.memory_space<vmem>>, %arg14: memref<2048x768xf32, #tpu.memory_space<vmem>>, %arg15: memref<2048x768xbf16, #tpu.memory_space<vmem>>, %arg16: memref<2048x768xbf16, #tpu.memory_space<vmem>>, %arg17: memref<2048x768xbf16, #tpu.memory_space<vmem>>, %arg18: memref<2048x768xbf16, #tpu.memory_space<vmem>>) attributes {dimension_semantics = [#tpu.dimension_semantics<arbitrary>], iteration_bounds = array<i64: 4>, scalar_prefetch = 0 : i64, scratch_operands = 5 : i64, tpu.core_type = #tpu.core_type<tc>, window_params = [{transform_indices = @transform_0, window_bounds = array<i64: 1, 1, 768>}, {transform_indices = @transform_1, window_bounds = array<i64: 1, 768, 768>}, {transform_indices = @transform_2, window_bounds = array<i64: 1, 768, 768>}, {transform_indices = @transform_3, window_bounds = array<i64: 1, 768, 768>}, {transform_indices = @transform_4, window_bounds = array<i64: 1, 2048, 768>}, {pipeline_mode = #tpu.pipeline_mode<synchronous>, transform_indices = @transform_5, window_bounds = array<i64: 2048, 768>}, {pipeline_mode = #tpu.pipeline_mode<synchronous>, transform_indices = @transform_6, window_bounds = array<i64: 2048, 768>}, {pipeline_mode = #tpu.pipeline_mode<synchronous>, transform_indices = @transform_7, window_bounds = array<i64: 1, 768>}, {pipeline_mode = #tpu.pipeline_mode<synchronous>, transform_indices = @transform_8, window_bounds = array<i64: 1, 768>}, {pipeline_mode = #tpu.pipeline_mode<synchronous>, transform_indices = @transform_9, window_bounds = array<i64: 768, 256>}, {pipeline_mode = #tpu.pipeline_mode<synchronous>, transform_indices = @transform_10, window_bounds = array<i64: 256, 768>}, {pipeline_mode = #tpu.pipeline_mode<synchronous>, transform_indices = @transform_11, window_bounds = array<i64: 1536, 256>}, {pipeline_mode = #tpu.pipeline_mode<synchronous>, transform_indices = @transform_12, window_bounds = array<i64: 2048, 768>}]} {
    %eq3A = arith.constant 0 : i32
    %eq3A_0 = arith.cmpi eq, %arg0, %eq3A : i32
    %convert_element_type3A = arith.extui %eq3A_0 : i1 to i32
    %cond3A = arith.constant 0 : i32
    %cond3A_1 = arith.cmpi ne, %convert_element_type3A, %cond3A : i32
    scf.if %cond3A_1 {
      %get3A_245 = arith.constant 0 : index
      %get3A_246 = arith.constant 0 : index
      %get3A_247 = vector.load %arg6[%get3A_245, %get3A_246] : memref<2048x768xf32, #tpu.memory_space<vmem>>, vector<2048x768xf32>
      %get3A_248 = arith.constant 0 : index
      %get3A_249 = arith.constant 0 : index
      %get3A_250 = vector.load %arg7[%get3A_248, %get3A_249] : memref<2048x768xf32, #tpu.memory_space<vmem>>, vector<2048x768xf32>
      %add3A_251 = arith.addf %get3A_247, %get3A_250 : vector<2048x768xf32>
      %swap3A_252 = arith.constant 0 : index
      %swap3A_253 = arith.constant 0 : index
      %swap3A_254 = vector.load %arg14[%swap3A_252, %swap3A_253] : memref<2048x768xf32, #tpu.memory_space<vmem>>, vector<2048x768xf32>
      tpu.vector_store %arg14[%swap3A_252, %swap3A_253], %add3A_251 {strides = array<i32>} : memref<2048x768xf32, #tpu.memory_space<vmem>>, vector<2048x768xf32>,
    } else {
    }
    %get3A = arith.constant 0 : index
    %get3A_2 = arith.constant 0 : index
    %get3A_3 = vector.load %arg14[%get3A, %get3A_2] : memref<2048x768xf32, #tpu.memory_space<vmem>>, vector<1024x768xf32>
    %get3A_4 = arith.constant 0 : index
    %get3A_5 = arith.constant 0 : index
    %get3A_6 = arith.constant 0 : index
    %get3A_7 = vector.load %arg1[%get3A_4, %get3A_5, %get3A_6] : memref<1x1x768xf32, #tpu.memory_space<vmem>>, vector<1x1x768xf32>
    %get3A_8 = vector.shape_cast %get3A_7 : vector<1x1x768xf32> to vector<1x768xf32>
    %add3A = vector.broadcast %get3A_8 : vector<1x768xf32> to vector<1024x768xf32>
    %add3A_9 = arith.addf %get3A_3, %add3A : vector<1024x768xf32>
    %swap3A = arith.constant 0 : index
    %swap3A_10 = arith.constant 0 : index
    %swap3A_11 = vector.load %arg14[%swap3A, %swap3A_10] : memref<2048x768xf32, #tpu.memory_space<vmem>>, vector<1024x768xf32>
    tpu.vector_store %arg14[%swap3A, %swap3A_10], %add3A_9 {strides = array<i32>} : memref<2048x768xf32, #tpu.memory_space<vmem>>, vector<1024x768xf32>,
    %convert_element_type3A_12 = arith.truncf %add3A_9 : vector<1024x768xf32> to vector<1024x768xbf16>
    %get3A_13 = arith.constant 0 : index
    %get3A_14 = arith.constant 0 : index
    %get3A_15 = arith.constant 0 : index
    %get3A_16 = vector.load %arg2[%get3A_13, %get3A_14, %get3A_15] : memref<1x768x768xbf16, #tpu.memory_space<vmem>>, vector<1x768x768xbf16>
    %get3A_17 = vector.shape_cast %get3A_16 : vector<1x768x768xbf16> to vector<768x768xbf16>
    %dot_general3A = arith.constant dense<0.000000e+00> : vector<1024x768xf32>
    %dot_general3A_18 = tpu.matmul %convert_element_type3A_12, %get3A_17, %dot_general3A {dimension_numbers = #tpu.dot_dimension_numbers<[1], [0], [0], [1], [0, 0, 1, 1], [], []>, transpose_lhs_hint = false} : vector<1024x768xbf16>, vector<768x768xbf16>, vector<1024x768xf32> -> vector<1024x768xf32>
    %get3A_19 = arith.constant 0 : index
    %get3A_20 = arith.constant 0 : index
    %get3A_21 = arith.constant 0 : index
    %get3A_22 = vector.load %arg3[%get3A_19, %get3A_20, %get3A_21] : memref<1x768x768xbf16, #tpu.memory_space<vmem>>, vector<1x768x768xbf16>
    %get3A_23 = vector.shape_cast %get3A_22 : vector<1x768x768xbf16> to vector<768x768xbf16>
    %dot_general3A_24 = arith.constant dense<0.000000e+00> : vector<1024x768xf32>
    %dot_general3A_25 = tpu.matmul %convert_element_type3A_12, %get3A_23, %dot_general3A_24 {dimension_numbers = #tpu.dot_dimension_numbers<[1], [0], [0], [1], [0, 0, 1, 1], [], []>, transpose_lhs_hint = false} : vector<1024x768xbf16>, vector<768x768xbf16>, vector<1024x768xf32> -> vector<1024x768xf32>
    %convert_element_type3A_26 = arith.truncf %dot_general3A_18 : vector<1024x768xf32> to vector<1024x768xbf16>
    %swap3A_27 = arith.constant 0 : index
    %swap3A_28 = arith.constant 0 : index
    %swap3A_29 = vector.load %arg15[%swap3A_27, %swap3A_28] : memref<2048x768xbf16, #tpu.memory_space<vmem>>, vector<1024x768xbf16>
    tpu.vector_store %arg15[%swap3A_27, %swap3A_28], %convert_element_type3A_26 {strides = array<i32>} : memref<2048x768xbf16, #tpu.memory_space<vmem>>, vector<1024x768xbf16>,
    %convert_element_type3A_30 = arith.truncf %dot_general3A_25 : vector<1024x768xf32> to vector<1024x768xbf16>
    %swap3A_31 = arith.constant 0 : index
    %swap3A_32 = arith.constant 0 : index
    %swap3A_33 = vector.load %arg17[%swap3A_31, %swap3A_32] : memref<2048x768xbf16, #tpu.memory_space<vmem>>, vector<1024x768xbf16>
    tpu.vector_store %arg17[%swap3A_31, %swap3A_32], %convert_element_type3A_30 {strides = array<i32>} : memref<2048x768xbf16, #tpu.memory_space<vmem>>, vector<1024x768xbf16>,
    %mul3A = arith.mulf %dot_general3A_18, %dot_general3A_18 : vector<1024x768xf32>
    %convert_element_type3A_34 = arith.truncf %mul3A : vector<1024x768xf32> to vector<1024x768xbf16>
    %get3A_35 = arith.constant 0 : index
    %get3A_36 = arith.constant 0 : index
    %get3A_37 = vector.load %arg10[%get3A_35, %get3A_36] : memref<768x256xbf16, #tpu.memory_space<vmem>>, vector<768x256xbf16>
    %dot_general3A_38 = arith.constant dense<0.000000e+00> : vector<1024x256xf32>
    %dot_general3A_39 = tpu.matmul %convert_element_type3A_34, %get3A_37, %dot_general3A_38 {dimension_numbers = #tpu.dot_dimension_numbers<[1], [0], [0], [1], [0, 0, 1, 1], [], []>, transpose_lhs_hint = false} : vector<1024x768xbf16>, vector<768x256xbf16>, vector<1024x256xf32> -> vector<1024x256xf32>
    %add3A_40 = arith.constant 6.400000e-11 : f32
    %add3A_41 = vector.broadcast %add3A_40 : f32 to vector<1024x256xf32>
    %add3A_42 = arith.addf %dot_general3A_39, %add3A_41 : vector<1024x256xf32>
    %rsqrt3A = math.rsqrt %add3A_42 : vector<1024x256xf32>
    %convert_element_type3A_43 = arith.truncf %rsqrt3A : vector<1024x256xf32> to vector<1024x256xbf16>
    %get3A_44 = arith.constant 0 : index
    %get3A_45 = arith.constant 0 : index
    %get3A_46 = vector.load %arg11[%get3A_44, %get3A_45] : memref<256x768xbf16, #tpu.memory_space<vmem>>, vector<256x768xbf16>
    %dot_general3A_47 = arith.constant dense<0.000000e+00> : vector<1024x768xf32>
    %dot_general3A_48 = tpu.matmul %convert_element_type3A_43, %get3A_46, %dot_general3A_47 {dimension_numbers = #tpu.dot_dimension_numbers<[1], [0], [0], [1], [0, 0, 1, 1], [], []>, transpose_lhs_hint = false} : vector<1024x256xbf16>, vector<256x768xbf16>, vector<1024x768xf32> -> vector<1024x768xf32>
    %mul3A_49 = arith.mulf %dot_general3A_18, %dot_general3A_48 : vector<1024x768xf32>
    %convert_element_type3A_50 = arith.truncf %mul3A_49 : vector<1024x768xf32> to vector<1024x768xbf16>
    %swap3A_51 = arith.constant 0 : index
    %swap3A_52 = arith.constant 0 : index
    %swap3A_53 = vector.load %arg16[%swap3A_51, %swap3A_52] : memref<2048x768xbf16, #tpu.memory_space<vmem>>, vector<1024x768xbf16>
    tpu.vector_store %arg16[%swap3A_51, %swap3A_52], %convert_element_type3A_50 {strides = array<i32>} : memref<2048x768xbf16, #tpu.memory_space<vmem>>, vector<1024x768xbf16>,
    %get3A_54 = arith.constant 1024 : index
    %get3A_55 = arith.constant 0 : index
    %get3A_56 = vector.load %arg14[%get3A_54, %get3A_55] : memref<2048x768xf32, #tpu.memory_space<vmem>>, vector<1024x768xf32>
    %get3A_57 = arith.constant 0 : index
    %get3A_58 = arith.constant 0 : index
    %get3A_59 = arith.constant 0 : index
    %get3A_60 = vector.load %arg1[%get3A_57, %get3A_58, %get3A_59] : memref<1x1x768xf32, #tpu.memory_space<vmem>>, vector<1x1x768xf32>
    %get3A_61 = vector.shape_cast %get3A_60 : vector<1x1x768xf32> to vector<1x768xf32>
    %add3A_62 = vector.broadcast %get3A_61 : vector<1x768xf32> to vector<1024x768xf32>
    %add3A_63 = arith.addf %get3A_56, %add3A_62 : vector<1024x768xf32>
    %swap3A_64 = arith.constant 1024 : index
    %swap3A_65 = arith.constant 0 : index
    %swap3A_66 = vector.load %arg14[%swap3A_64, %swap3A_65] : memref<2048x768xf32, #tpu.memory_space<vmem>>, vector<1024x768xf32>
    tpu.vector_store %arg14[%swap3A_64, %swap3A_65], %add3A_63 {strides = array<i32>} : memref<2048x768xf32, #tpu.memory_space<vmem>>, vector<1024x768xf32>,
    %convert_element_type3A_67 = arith.truncf %add3A_63 : vector<1024x768xf32> to vector<1024x768xbf16>
    %get3A_68 = arith.constant 0 : index
    %get3A_69 = arith.constant 0 : index
    %get3A_70 = arith.constant 0 : index
    %get3A_71 = vector.load %arg2[%get3A_68, %get3A_69, %get3A_70] : memref<1x768x768xbf16, #tpu.memory_space<vmem>>, vector<1x768x768xbf16>
    %get3A_72 = vector.shape_cast %get3A_71 : vector<1x768x768xbf16> to vector<768x768xbf16>
    %dot_general3A_73 = arith.constant dense<0.000000e+00> : vector<1024x768xf32>
    %dot_general3A_74 = tpu.matmul %convert_element_type3A_67, %get3A_72, %dot_general3A_73 {dimension_numbers = #tpu.dot_dimension_numbers<[1], [0], [0], [1], [0, 0, 1, 1], [], []>, transpose_lhs_hint = false} : vector<1024x768xbf16>, vector<768x768xbf16>, vector<1024x768xf32> -> vector<1024x768xf32>
    %get3A_75 = arith.constant 0 : index
    %get3A_76 = arith.constant 0 : index
    %get3A_77 = arith.constant 0 : index
    %get3A_78 = vector.load %arg3[%get3A_75, %get3A_76, %get3A_77] : memref<1x768x768xbf16, #tpu.memory_space<vmem>>, vector<1x768x768xbf16>
    %get3A_79 = vector.shape_cast %get3A_78 : vector<1x768x768xbf16> to vector<768x768xbf16>
    %dot_general3A_80 = arith.constant dense<0.000000e+00> : vector<1024x768xf32>
    %dot_general3A_81 = tpu.matmul %convert_element_type3A_67, %get3A_79, %dot_general3A_80 {dimension_numbers = #tpu.dot_dimension_numbers<[1], [0], [0], [1], [0, 0, 1, 1], [], []>, transpose_lhs_hint = false} : vector<1024x768xbf16>, vector<768x768xbf16>, vector<1024x768xf32> -> vector<1024x768xf32>
    %convert_element_type3A_82 = arith.truncf %dot_general3A_74 : vector<1024x768xf32> to vector<1024x768xbf16>
    %swap3A_83 = arith.constant 1024 : index
    %swap3A_84 = arith.constant 0 : index
    %swap3A_85 = vector.load %arg15[%swap3A_83, %swap3A_84] : memref<2048x768xbf16, #tpu.memory_space<vmem>>, vector<1024x768xbf16>
    tpu.vector_store %arg15[%swap3A_83, %swap3A_84], %convert_element_type3A_82 {strides = array<i32>} : memref<2048x768xbf16, #tpu.memory_space<vmem>>, vector<1024x768xbf16>,
    %convert_element_type3A_86 = arith.truncf %dot_general3A_81 : vector<1024x768xf32> to vector<1024x768xbf16>
    %swap3A_87 = arith.constant 1024 : index
    %swap3A_88 = arith.constant 0 : index
    %swap3A_89 = vector.load %arg17[%swap3A_87, %swap3A_88] : memref<2048x768xbf16, #tpu.memory_space<vmem>>, vector<1024x768xbf16>
    tpu.vector_store %arg17[%swap3A_87, %swap3A_88], %convert_element_type3A_86 {strides = array<i32>} : memref<2048x768xbf16, #tpu.memory_space<vmem>>, vector<1024x768xbf16>,
    %mul3A_90 = arith.mulf %dot_general3A_74, %dot_general3A_74 : vector<1024x768xf32>
    %convert_element_type3A_91 = arith.truncf %mul3A_90 : vector<1024x768xf32> to vector<1024x768xbf16>
    %get3A_92 = arith.constant 0 : index
    %get3A_93 = arith.constant 0 : index
    %get3A_94 = vector.load %arg10[%get3A_92, %get3A_93] : memref<768x256xbf16, #tpu.memory_space<vmem>>, vector<768x256xbf16>
    %dot_general3A_95 = arith.constant dense<0.000000e+00> : vector<1024x256xf32>
    %dot_general3A_96 = tpu.matmul %convert_element_type3A_91, %get3A_94, %dot_general3A_95 {dimension_numbers = #tpu.dot_dimension_numbers<[1], [0], [0], [1], [0, 0, 1, 1], [], []>, transpose_lhs_hint = false} : vector<1024x768xbf16>, vector<768x256xbf16>, vector<1024x256xf32> -> vector<1024x256xf32>
    %add3A_97 = arith.constant 6.400000e-11 : f32
    %add3A_98 = vector.broadcast %add3A_97 : f32 to vector<1024x256xf32>
    %add3A_99 = arith.addf %dot_general3A_96, %add3A_98 : vector<1024x256xf32>
    %rsqrt3A_100 = math.rsqrt %add3A_99 : vector<1024x256xf32>
    %convert_element_type3A_101 = arith.truncf %rsqrt3A_100 : vector<1024x256xf32> to vector<1024x256xbf16>
    %get3A_102 = arith.constant 0 : index
    %get3A_103 = arith.constant 0 : index
    %get3A_104 = vector.load %arg11[%get3A_102, %get3A_103] : memref<256x768xbf16, #tpu.memory_space<vmem>>, vector<256x768xbf16>
    %dot_general3A_105 = arith.constant dense<0.000000e+00> : vector<1024x768xf32>
    %dot_general3A_106 = tpu.matmul %convert_element_type3A_101, %get3A_104, %dot_general3A_105 {dimension_numbers = #tpu.dot_dimension_numbers<[1], [0], [0], [1], [0, 0, 1, 1], [], []>, transpose_lhs_hint = false} : vector<1024x256xbf16>, vector<256x768xbf16>, vector<1024x768xf32> -> vector<1024x768xf32>
    %mul3A_107 = arith.mulf %dot_general3A_74, %dot_general3A_106 : vector<1024x768xf32>
    %convert_element_type3A_108 = arith.truncf %mul3A_107 : vector<1024x768xf32> to vector<1024x768xbf16>
    %swap3A_109 = arith.constant 1024 : index
    %swap3A_110 = arith.constant 0 : index
    %swap3A_111 = vector.load %arg16[%swap3A_109, %swap3A_110] : memref<2048x768xbf16, #tpu.memory_space<vmem>>, vector<1024x768xbf16>
    tpu.vector_store %arg16[%swap3A_109, %swap3A_110], %convert_element_type3A_108 {strides = array<i32>} : memref<2048x768xbf16, #tpu.memory_space<vmem>>, vector<1024x768xbf16>,
    %get3A_112 = arith.constant 0 : index
    %get3A_113 = arith.constant 0 : index
    %get3A_114 = vector.load %arg12[%get3A_112, %get3A_113] : memref<1536x256xbf16, #tpu.memory_space<vmem>>, vector<1536x256xbf16>
    %scan3A = arith.constant 0 : i32
    %scan3A_115 = arith.constant 16 : i32
    %scan3A_116 = arith.addi %scan3A, %scan3A_115 : i32
    %scan3A_117 = arith.constant 1 : i32
    scf.for %scan3A_245 = %scan3A to %scan3A_116 step %scan3A_117  : i32 {
      %mul3A_246 = arith.constant 128 : i32
      %mul3A_247 = arith.muli %scan3A_245, %mul3A_246 : i32
      %add3A_248 = arith.constant 2048 : i32
      %add3A_249 = arith.addi %mul3A_247, %add3A_248 : i32
      %sub3A_250 = arith.constant 128 : i32
      %sub3A_251 = arith.subi %add3A_249, %sub3A_250 : i32
      %rem3A = arith.constant 2048 : i32
      %rem3A_252 = arith.remsi %sub3A_251, %rem3A : i32
      %get3A_253 = arith.index_cast %mul3A_247 : i32 to index
      %get3A_254 = arith.constant 0 : index
      %get3A_255 = vector.load %arg15[%get3A_253, %get3A_254] : memref<2048x768xbf16, #tpu.memory_space<vmem>>, vector<128x768xbf16>
      %get3A_256 = arith.index_cast %rem3A_252 : i32 to index
      %get3A_257 = arith.constant 0 : index
      %get3A_258 = vector.load %arg16[%get3A_256, %get3A_257] : memref<2048x768xbf16, #tpu.memory_space<vmem>>, vector<128x768xbf16>
      %get3A_259 = arith.index_cast %mul3A_247 : i32 to index
      %get3A_260 = arith.constant 0 : index
      %get3A_261 = vector.load %arg16[%get3A_259, %get3A_260] : memref<2048x768xbf16, #tpu.memory_space<vmem>>, vector<128x768xbf16>
      %concatenate3A = tpu.concatenate %get3A_258, %get3A_261 in 0 : vector<128x768xbf16>, vector<128x768xbf16> -> vector<256x768xbf16>
      %get3A_262 = arith.index_cast %rem3A_252 : i32 to index
      %get3A_263 = arith.constant 0 : index
      %get3A_264 = vector.load %arg17[%get3A_262, %get3A_263] : memref<2048x768xbf16, #tpu.memory_space<vmem>>, vector<128x768xbf16>
      %get3A_265 = arith.index_cast %mul3A_247 : i32 to index
      %get3A_266 = arith.constant 0 : index
      %get3A_267 = vector.load %arg17[%get3A_265, %get3A_266] : memref<2048x768xbf16, #tpu.memory_space<vmem>>, vector<128x768xbf16>
      %concatenate3A_268 = tpu.concatenate %get3A_264, %get3A_267 in 0 : vector<128x768xbf16>, vector<128x768xbf16> -> vector<256x768xbf16>
      %slice3A = vector.extract_strided_slice %get3A_255 {offsets = [0, 0], sizes = [128, 64], strides = [1, 1]} : vector<128x768xbf16> to vector<128x64xbf16>
      %slice3A_269 = vector.extract_strided_slice %concatenate3A {offsets = [0, 0], sizes = [256, 64], strides = [1, 1]} : vector<256x768xbf16> to vector<256x64xbf16>
      %dot_general3A_270 = arith.constant dense<0.000000e+00> : vector<128x256xf32>
      %dot_general3A_271 = tpu.matmul %slice3A, %slice3A_269, %dot_general3A_270 {dimension_numbers = #tpu.dot_dimension_numbers<[1], [1], [0], [0], [0, 0, 1, 0], [], []>, transpose_lhs_hint = false} : vector<128x64xbf16>, vector<256x64xbf16>, vector<128x256xf32> -> vector<128x256xf32>
      %convert_element_type3A_272 = arith.truncf %dot_general3A_271 : vector<128x256xf32> to vector<128x256xbf16>
      %slice3A_273 = vector.extract_strided_slice %get3A_255 {offsets = [0, 64], sizes = [128, 64], strides = [1, 1]} : vector<128x768xbf16> to vector<128x64xbf16>
      %slice3A_274 = vector.extract_strided_slice %concatenate3A {offsets = [0, 64], sizes = [256, 64], strides = [1, 1]} : vector<256x768xbf16> to vector<256x64xbf16>
      %dot_general3A_275 = arith.constant dense<0.000000e+00> : vector<128x256xf32>
      %dot_general3A_276 = tpu.matmul %slice3A_273, %slice3A_274, %dot_general3A_275 {dimension_numbers = #tpu.dot_dimension_numbers<[1], [1], [0], [0], [0, 0, 1, 0], [], []>, transpose_lhs_hint = false} : vector<128x64xbf16>, vector<256x64xbf16>, vector<128x256xf32> -> vector<128x256xf32>
      %convert_element_type3A_277 = arith.truncf %dot_general3A_276 : vector<128x256xf32> to vector<128x256xbf16>
      %slice3A_278 = vector.extract_strided_slice %get3A_255 {offsets = [0, 128], sizes = [128, 64], strides = [1, 1]} : vector<128x768xbf16> to vector<128x64xbf16>
      %slice3A_279 = vector.extract_strided_slice %concatenate3A {offsets = [0, 128], sizes = [256, 64], strides = [1, 1]} : vector<256x768xbf16> to vector<256x64xbf16>
      %dot_general3A_280 = arith.constant dense<0.000000e+00> : vector<128x256xf32>
      %dot_general3A_281 = tpu.matmul %slice3A_278, %slice3A_279, %dot_general3A_280 {dimension_numbers = #tpu.dot_dimension_numbers<[1], [1], [0], [0], [0, 0, 1, 0], [], []>, transpose_lhs_hint = false} : vector<128x64xbf16>, vector<256x64xbf16>, vector<128x256xf32> -> vector<128x256xf32>
      %convert_element_type3A_282 = arith.truncf %dot_general3A_281 : vector<128x256xf32> to vector<128x256xbf16>
      %slice3A_283 = vector.extract_strided_slice %get3A_255 {offsets = [0, 192], sizes = [128, 64], strides = [1, 1]} : vector<128x768xbf16> to vector<128x64xbf16>
      %slice3A_284 = vector.extract_strided_slice %concatenate3A {offsets = [0, 192], sizes = [256, 64], strides = [1, 1]} : vector<256x768xbf16> to vector<256x64xbf16>
      %dot_general3A_285 = arith.constant dense<0.000000e+00> : vector<128x256xf32>
      %dot_general3A_286 = tpu.matmul %slice3A_283, %slice3A_284, %dot_general3A_285 {dimension_numbers = #tpu.dot_dimension_numbers<[1], [1], [0], [0], [0, 0, 1, 0], [], []>, transpose_lhs_hint = false} : vector<128x64xbf16>, vector<256x64xbf16>, vector<128x256xf32> -> vector<128x256xf32>
      %convert_element_type3A_287 = arith.truncf %dot_general3A_286 : vector<128x256xf32> to vector<128x256xbf16>
      %slice3A_288 = vector.extract_strided_slice %get3A_255 {offsets = [0, 256], sizes = [128, 64], strides = [1, 1]} : vector<128x768xbf16> to vector<128x64xbf16>
      %slice3A_289 = vector.extract_strided_slice %concatenate3A {offsets = [0, 256], sizes = [256, 64], strides = [1, 1]} : vector<256x768xbf16> to vector<256x64xbf16>
      %dot_general3A_290 = arith.constant dense<0.000000e+00> : vector<128x256xf32>
      %dot_general3A_291 = tpu.matmul %slice3A_288, %slice3A_289, %dot_general3A_290 {dimension_numbers = #tpu.dot_dimension_numbers<[1], [1], [0], [0], [0, 0, 1, 0], [], []>, transpose_lhs_hint = false} : vector<128x64xbf16>, vector<256x64xbf16>, vector<128x256xf32> -> vector<128x256xf32>
      %convert_element_type3A_292 = arith.truncf %dot_general3A_291 : vector<128x256xf32> to vector<128x256xbf16>
      %slice3A_293 = vector.extract_strided_slice %get3A_255 {offsets = [0, 320], sizes = [128, 64], strides = [1, 1]} : vector<128x768xbf16> to vector<128x64xbf16>
      %slice3A_294 = vector.extract_strided_slice %concatenate3A {offsets = [0, 320], sizes = [256, 64], strides = [1, 1]} : vector<256x768xbf16> to vector<256x64xbf16>
      %dot_general3A_295 = arith.constant dense<0.000000e+00> : vector<128x256xf32>
      %dot_general3A_296 = tpu.matmul %slice3A_293, %slice3A_294, %dot_general3A_295 {dimension_numbers = #tpu.dot_dimension_numbers<[1], [1], [0], [0], [0, 0, 1, 0], [], []>, transpose_lhs_hint = false} : vector<128x64xbf16>, vector<256x64xbf16>, vector<128x256xf32> -> vector<128x256xf32>
      %convert_element_type3A_297 = arith.truncf %dot_general3A_296 : vector<128x256xf32> to vector<128x256xbf16>
      %slice3A_298 = vector.extract_strided_slice %get3A_255 {offsets = [0, 384], sizes = [128, 64], strides = [1, 1]} : vector<128x768xbf16> to vector<128x64xbf16>
      %slice3A_299 = vector.extract_strided_slice %concatenate3A {offsets = [0, 384], sizes = [256, 64], strides = [1, 1]} : vector<256x768xbf16> to vector<256x64xbf16>
      %dot_general3A_300 = arith.constant dense<0.000000e+00> : vector<128x256xf32>
      %dot_general3A_301 = tpu.matmul %slice3A_298, %slice3A_299, %dot_general3A_300 {dimension_numbers = #tpu.dot_dimension_numbers<[1], [1], [0], [0], [0, 0, 1, 0], [], []>, transpose_lhs_hint = false} : vector<128x64xbf16>, vector<256x64xbf16>, vector<128x256xf32> -> vector<128x256xf32>
      %convert_element_type3A_302 = arith.truncf %dot_general3A_301 : vector<128x256xf32> to vector<128x256xbf16>
      %slice3A_303 = vector.extract_strided_slice %get3A_255 {offsets = [0, 448], sizes = [128, 64], strides = [1, 1]} : vector<128x768xbf16> to vector<128x64xbf16>
      %slice3A_304 = vector.extract_strided_slice %concatenate3A {offsets = [0, 448], sizes = [256, 64], strides = [1, 1]} : vector<256x768xbf16> to vector<256x64xbf16>
      %dot_general3A_305 = arith.constant dense<0.000000e+00> : vector<128x256xf32>
      %dot_general3A_306 = tpu.matmul %slice3A_303, %slice3A_304, %dot_general3A_305 {dimension_numbers = #tpu.dot_dimension_numbers<[1], [1], [0], [0], [0, 0, 1, 0], [], []>, transpose_lhs_hint = false} : vector<128x64xbf16>, vector<256x64xbf16>, vector<128x256xf32> -> vector<128x256xf32>
      %convert_element_type3A_307 = arith.truncf %dot_general3A_306 : vector<128x256xf32> to vector<128x256xbf16>
      %slice3A_308 = vector.extract_strided_slice %get3A_255 {offsets = [0, 512], sizes = [128, 64], strides = [1, 1]} : vector<128x768xbf16> to vector<128x64xbf16>
      %slice3A_309 = vector.extract_strided_slice %concatenate3A {offsets = [0, 512], sizes = [256, 64], strides = [1, 1]} : vector<256x768xbf16> to vector<256x64xbf16>
      %dot_general3A_310 = arith.constant dense<0.000000e+00> : vector<128x256xf32>
      %dot_general3A_311 = tpu.matmul %slice3A_308, %slice3A_309, %dot_general3A_310 {dimension_numbers = #tpu.dot_dimension_numbers<[1], [1], [0], [0], [0, 0, 1, 0], [], []>, transpose_lhs_hint = false} : vector<128x64xbf16>, vector<256x64xbf16>, vector<128x256xf32> -> vector<128x256xf32>
      %convert_element_type3A_312 = arith.truncf %dot_general3A_311 : vector<128x256xf32> to vector<128x256xbf16>
      %slice3A_313 = vector.extract_strided_slice %get3A_255 {offsets = [0, 576], sizes = [128, 64], strides = [1, 1]} : vector<128x768xbf16> to vector<128x64xbf16>
      %slice3A_314 = vector.extract_strided_slice %concatenate3A {offsets = [0, 576], sizes = [256, 64], strides = [1, 1]} : vector<256x768xbf16> to vector<256x64xbf16>
      %dot_general3A_315 = arith.constant dense<0.000000e+00> : vector<128x256xf32>
      %dot_general3A_316 = tpu.matmul %slice3A_313, %slice3A_314, %dot_general3A_315 {dimension_numbers = #tpu.dot_dimension_numbers<[1], [1], [0], [0], [0, 0, 1, 0], [], []>, transpose_lhs_hint = false} : vector<128x64xbf16>, vector<256x64xbf16>, vector<128x256xf32> -> vector<128x256xf32>
      %convert_element_type3A_317 = arith.truncf %dot_general3A_316 : vector<128x256xf32> to vector<128x256xbf16>
      %slice3A_318 = vector.extract_strided_slice %get3A_255 {offsets = [0, 640], sizes = [128, 64], strides = [1, 1]} : vector<128x768xbf16> to vector<128x64xbf16>
      %slice3A_319 = vector.extract_strided_slice %concatenate3A {offsets = [0, 640], sizes = [256, 64], strides = [1, 1]} : vector<256x768xbf16> to vector<256x64xbf16>
      %dot_general3A_320 = arith.constant dense<0.000000e+00> : vector<128x256xf32>
      %dot_general3A_321 = tpu.matmul %slice3A_318, %slice3A_319, %dot_general3A_320 {dimension_numbers = #tpu.dot_dimension_numbers<[1], [1], [0], [0], [0, 0, 1, 0], [], []>, transpose_lhs_hint = false} : vector<128x64xbf16>, vector<256x64xbf16>, vector<128x256xf32> -> vector<128x256xf32>
      %convert_element_type3A_322 = arith.truncf %dot_general3A_321 : vector<128x256xf32> to vector<128x256xbf16>
      %slice3A_323 = vector.extract_strided_slice %get3A_255 {offsets = [0, 704], sizes = [128, 64], strides = [1, 1]} : vector<128x768xbf16> to vector<128x64xbf16>
      %slice3A_324 = vector.extract_strided_slice %concatenate3A {offsets = [0, 704], sizes = [256, 64], strides = [1, 1]} : vector<256x768xbf16> to vector<256x64xbf16>
      %dot_general3A_325 = arith.constant dense<0.000000e+00> : vector<128x256xf32>
      %dot_general3A_326 = tpu.matmul %slice3A_323, %slice3A_324, %dot_general3A_325 {dimension_numbers = #tpu.dot_dimension_numbers<[1], [1], [0], [0], [0, 0, 1, 0], [], []>, transpose_lhs_hint = false} : vector<128x64xbf16>, vector<256x64xbf16>, vector<128x256xf32> -> vector<128x256xf32>
      %convert_element_type3A_327 = arith.truncf %dot_general3A_326 : vector<128x256xf32> to vector<128x256xbf16>
      %concatenate3A_328 = tpu.concatenate %convert_element_type3A_272, %convert_element_type3A_277, %convert_element_type3A_282, %convert_element_type3A_287, %convert_element_type3A_292, %convert_element_type3A_297, %convert_element_type3A_302, %convert_element_type3A_307, %convert_element_type3A_312, %convert_element_type3A_317, %convert_element_type3A_322, %convert_element_type3A_327 in 0 : vector<128x256xbf16>, vector<128x256xbf16>, vector<128x256xbf16>, vector<128x256xbf16>, vector<128x256xbf16>, vector<128x256xbf16>, vector<128x256xbf16>, vector<128x256xbf16>, vector<128x256xbf16>, vector<128x256xbf16>, vector<128x256xbf16>, vector<128x256xbf16> -> vector<1536x256xbf16>
      %sub3A_329 = arith.subf %concatenate3A_328, %get3A_114 : vector<1536x256xbf16>
      %exp3A = math.exp %sub3A_329 : vector<1536x256xbf16>
      %convert_element_type3A_330 = arith.extf %exp3A : vector<1536x256xbf16> to vector<1536x256xf32>
      %reduce_sum3A_331 = arith.constant dense<0.000000e+00> : vector<1536xf32>
      %reduce_sum3A_332 = vector.multi_reduction <add>, %convert_element_type3A_330, %reduce_sum3A_331 [1] : vector<1536x256xf32> to vector<1536xf32>
      %broadcast_in_dim3A_333 = vector.shape_cast %reduce_sum3A_332 : vector<1536xf32> to vector<1536x1xf32>
      %div3A_334 = arith.constant 1.000000e+00 : f32
      %div3A_335 = vector.broadcast %div3A_334 : f32 to vector<1536x1xf32>
      %div3A_336 = arith.divf %div3A_335, %broadcast_in_dim3A_333 : vector<1536x1xf32>
      %slice3A_337 = vector.extract_strided_slice %exp3A {offsets = [0, 0], sizes = [128, 256], strides = [1, 1]} : vector<1536x256xbf16> to vector<128x256xbf16>
      %slice3A_338 = vector.extract_strided_slice %concatenate3A_268 {offsets = [0, 0], sizes = [256, 64], strides = [1, 1]} : vector<256x768xbf16> to vector<256x64xbf16>
      %dot_general3A_339 = arith.constant dense<0.000000e+00> : vector<128x64xf32>
      %dot_general3A_340 = tpu.matmul %slice3A_337, %slice3A_338, %dot_general3A_339 {dimension_numbers = #tpu.dot_dimension_numbers<[1], [0], [0], [1], [0, 0, 1, 1], [], []>, transpose_lhs_hint = false} : vector<128x256xbf16>, vector<256x64xbf16>, vector<128x64xf32> -> vector<128x64xf32>
      %slice3A_341 = vector.extract_strided_slice %div3A_336 {offsets = [0, 0], sizes = [128, 1], strides = [1, 1]} : vector<1536x1xf32> to vector<128x1xf32>
      %mul3A_342 = vector.broadcast %slice3A_341 : vector<128x1xf32> to vector<128x64xf32>
      %mul3A_343 = arith.mulf %dot_general3A_340, %mul3A_342 : vector<128x64xf32>
      %convert_element_type3A_344 = arith.truncf %mul3A_343 : vector<128x64xf32> to vector<128x64xbf16>
      %slice3A_345 = vector.extract_strided_slice %exp3A {offsets = [128, 0], sizes = [128, 256], strides = [1, 1]} : vector<1536x256xbf16> to vector<128x256xbf16>
      %slice3A_346 = vector.extract_strided_slice %concatenate3A_268 {offsets = [0, 64], sizes = [256, 64], strides = [1, 1]} : vector<256x768xbf16> to vector<256x64xbf16>
      %dot_general3A_347 = arith.constant dense<0.000000e+00> : vector<128x64xf32>
      %dot_general3A_348 = tpu.matmul %slice3A_345, %slice3A_346, %dot_general3A_347 {dimension_numbers = #tpu.dot_dimension_numbers<[1], [0], [0], [1], [0, 0, 1, 1], [], []>, transpose_lhs_hint = false} : vector<128x256xbf16>, vector<256x64xbf16>, vector<128x64xf32> -> vector<128x64xf32>
      %slice3A_349 = vector.extract_strided_slice %div3A_336 {offsets = [128, 0], sizes = [128, 1], strides = [1, 1]} : vector<1536x1xf32> to vector<128x1xf32>
      %mul3A_350 = vector.broadcast %slice3A_349 : vector<128x1xf32> to vector<128x64xf32>
      %mul3A_351 = arith.mulf %dot_general3A_348, %mul3A_350 : vector<128x64xf32>
      %convert_element_type3A_352 = arith.truncf %mul3A_351 : vector<128x64xf32> to vector<128x64xbf16>
      %slice3A_353 = vector.extract_strided_slice %exp3A {offsets = [256, 0], sizes = [128, 256], strides = [1, 1]} : vector<1536x256xbf16> to vector<128x256xbf16>
      %slice3A_354 = vector.extract_strided_slice %concatenate3A_268 {offsets = [0, 128], sizes = [256, 64], strides = [1, 1]} : vector<256x768xbf16> to vector<256x64xbf16>
      %dot_general3A_355 = arith.constant dense<0.000000e+00> : vector<128x64xf32>
      %dot_general3A_356 = tpu.matmul %slice3A_353, %slice3A_354, %dot_general3A_355 {dimension_numbers = #tpu.dot_dimension_numbers<[1], [0], [0], [1], [0, 0, 1, 1], [], []>, transpose_lhs_hint = false} : vector<128x256xbf16>, vector<256x64xbf16>, vector<128x64xf32> -> vector<128x64xf32>
      %slice3A_357 = vector.extract_strided_slice %div3A_336 {offsets = [256, 0], sizes = [128, 1], strides = [1, 1]} : vector<1536x1xf32> to vector<128x1xf32>
      %mul3A_358 = vector.broadcast %slice3A_357 : vector<128x1xf32> to vector<128x64xf32>
      %mul3A_359 = arith.mulf %dot_general3A_356, %mul3A_358 : vector<128x64xf32>
      %convert_element_type3A_360 = arith.truncf %mul3A_359 : vector<128x64xf32> to vector<128x64xbf16>
      %slice3A_361 = vector.extract_strided_slice %exp3A {offsets = [384, 0], sizes = [128, 256], strides = [1, 1]} : vector<1536x256xbf16> to vector<128x256xbf16>
      %slice3A_362 = vector.extract_strided_slice %concatenate3A_268 {offsets = [0, 192], sizes = [256, 64], strides = [1, 1]} : vector<256x768xbf16> to vector<256x64xbf16>
      %dot_general3A_363 = arith.constant dense<0.000000e+00> : vector<128x64xf32>
      %dot_general3A_364 = tpu.matmul %slice3A_361, %slice3A_362, %dot_general3A_363 {dimension_numbers = #tpu.dot_dimension_numbers<[1], [0], [0], [1], [0, 0, 1, 1], [], []>, transpose_lhs_hint = false} : vector<128x256xbf16>, vector<256x64xbf16>, vector<128x64xf32> -> vector<128x64xf32>
      %slice3A_365 = vector.extract_strided_slice %div3A_336 {offsets = [384, 0], sizes = [128, 1], strides = [1, 1]} : vector<1536x1xf32> to vector<128x1xf32>
      %mul3A_366 = vector.broadcast %slice3A_365 : vector<128x1xf32> to vector<128x64xf32>
      %mul3A_367 = arith.mulf %dot_general3A_364, %mul3A_366 : vector<128x64xf32>
      %convert_element_type3A_368 = arith.truncf %mul3A_367 : vector<128x64xf32> to vector<128x64xbf16>
      %slice3A_369 = vector.extract_strided_slice %exp3A {offsets = [512, 0], sizes = [128, 256], strides = [1, 1]} : vector<1536x256xbf16> to vector<128x256xbf16>
      %slice3A_370 = vector.extract_strided_slice %concatenate3A_268 {offsets = [0, 256], sizes = [256, 64], strides = [1, 1]} : vector<256x768xbf16> to vector<256x64xbf16>
      %dot_general3A_371 = arith.constant dense<0.000000e+00> : vector<128x64xf32>
      %dot_general3A_372 = tpu.matmul %slice3A_369, %slice3A_370, %dot_general3A_371 {dimension_numbers = #tpu.dot_dimension_numbers<[1], [0], [0], [1], [0, 0, 1, 1], [], []>, transpose_lhs_hint = false} : vector<128x256xbf16>, vector<256x64xbf16>, vector<128x64xf32> -> vector<128x64xf32>
      %slice3A_373 = vector.extract_strided_slice %div3A_336 {offsets = [512, 0], sizes = [128, 1], strides = [1, 1]} : vector<1536x1xf32> to vector<128x1xf32>
      %mul3A_374 = vector.broadcast %slice3A_373 : vector<128x1xf32> to vector<128x64xf32>
      %mul3A_375 = arith.mulf %dot_general3A_372, %mul3A_374 : vector<128x64xf32>
      %convert_element_type3A_376 = arith.truncf %mul3A_375 : vector<128x64xf32> to vector<128x64xbf16>
      %slice3A_377 = vector.extract_strided_slice %exp3A {offsets = [640, 0], sizes = [128, 256], strides = [1, 1]} : vector<1536x256xbf16> to vector<128x256xbf16>
      %slice3A_378 = vector.extract_strided_slice %concatenate3A_268 {offsets = [0, 320], sizes = [256, 64], strides = [1, 1]} : vector<256x768xbf16> to vector<256x64xbf16>
      %dot_general3A_379 = arith.constant dense<0.000000e+00> : vector<128x64xf32>
      %dot_general3A_380 = tpu.matmul %slice3A_377, %slice3A_378, %dot_general3A_379 {dimension_numbers = #tpu.dot_dimension_numbers<[1], [0], [0], [1], [0, 0, 1, 1], [], []>, transpose_lhs_hint = false} : vector<128x256xbf16>, vector<256x64xbf16>, vector<128x64xf32> -> vector<128x64xf32>
      %slice3A_381 = vector.extract_strided_slice %div3A_336 {offsets = [640, 0], sizes = [128, 1], strides = [1, 1]} : vector<1536x1xf32> to vector<128x1xf32>
      %mul3A_382 = vector.broadcast %slice3A_381 : vector<128x1xf32> to vector<128x64xf32>
      %mul3A_383 = arith.mulf %dot_general3A_380, %mul3A_382 : vector<128x64xf32>
      %convert_element_type3A_384 = arith.truncf %mul3A_383 : vector<128x64xf32> to vector<128x64xbf16>
      %slice3A_385 = vector.extract_strided_slice %exp3A {offsets = [768, 0], sizes = [128, 256], strides = [1, 1]} : vector<1536x256xbf16> to vector<128x256xbf16>
      %slice3A_386 = vector.extract_strided_slice %concatenate3A_268 {offsets = [0, 384], sizes = [256, 64], strides = [1, 1]} : vector<256x768xbf16> to vector<256x64xbf16>
      %dot_general3A_387 = arith.constant dense<0.000000e+00> : vector<128x64xf32>
      %dot_general3A_388 = tpu.matmul %slice3A_385, %slice3A_386, %dot_general3A_387 {dimension_numbers = #tpu.dot_dimension_numbers<[1], [0], [0], [1], [0, 0, 1, 1], [], []>, transpose_lhs_hint = false} : vector<128x256xbf16>, vector<256x64xbf16>, vector<128x64xf32> -> vector<128x64xf32>
      %slice3A_389 = vector.extract_strided_slice %div3A_336 {offsets = [768, 0], sizes = [128, 1], strides = [1, 1]} : vector<1536x1xf32> to vector<128x1xf32>
      %mul3A_390 = vector.broadcast %slice3A_389 : vector<128x1xf32> to vector<128x64xf32>
      %mul3A_391 = arith.mulf %dot_general3A_388, %mul3A_390 : vector<128x64xf32>
      %convert_element_type3A_392 = arith.truncf %mul3A_391 : vector<128x64xf32> to vector<128x64xbf16>
      %slice3A_393 = vector.extract_strided_slice %exp3A {offsets = [896, 0], sizes = [128, 256], strides = [1, 1]} : vector<1536x256xbf16> to vector<128x256xbf16>
      %slice3A_394 = vector.extract_strided_slice %concatenate3A_268 {offsets = [0, 448], sizes = [256, 64], strides = [1, 1]} : vector<256x768xbf16> to vector<256x64xbf16>
      %dot_general3A_395 = arith.constant dense<0.000000e+00> : vector<128x64xf32>
      %dot_general3A_396 = tpu.matmul %slice3A_393, %slice3A_394, %dot_general3A_395 {dimension_numbers = #tpu.dot_dimension_numbers<[1], [0], [0], [1], [0, 0, 1, 1], [], []>, transpose_lhs_hint = false} : vector<128x256xbf16>, vector<256x64xbf16>, vector<128x64xf32> -> vector<128x64xf32>
      %slice3A_397 = vector.extract_strided_slice %div3A_336 {offsets = [896, 0], sizes = [128, 1], strides = [1, 1]} : vector<1536x1xf32> to vector<128x1xf32>
      %mul3A_398 = vector.broadcast %slice3A_397 : vector<128x1xf32> to vector<128x64xf32>
      %mul3A_399 = arith.mulf %dot_general3A_396, %mul3A_398 : vector<128x64xf32>
      %convert_element_type3A_400 = arith.truncf %mul3A_399 : vector<128x64xf32> to vector<128x64xbf16>
      %slice3A_401 = vector.extract_strided_slice %exp3A {offsets = [1024, 0], sizes = [128, 256], strides = [1, 1]} : vector<1536x256xbf16> to vector<128x256xbf16>
      %slice3A_402 = vector.extract_strided_slice %concatenate3A_268 {offsets = [0, 512], sizes = [256, 64], strides = [1, 1]} : vector<256x768xbf16> to vector<256x64xbf16>
      %dot_general3A_403 = arith.constant dense<0.000000e+00> : vector<128x64xf32>
      %dot_general3A_404 = tpu.matmul %slice3A_401, %slice3A_402, %dot_general3A_403 {dimension_numbers = #tpu.dot_dimension_numbers<[1], [0], [0], [1], [0, 0, 1, 1], [], []>, transpose_lhs_hint = false} : vector<128x256xbf16>, vector<256x64xbf16>, vector<128x64xf32> -> vector<128x64xf32>
      %slice3A_405 = vector.extract_strided_slice %div3A_336 {offsets = [1024, 0], sizes = [128, 1], strides = [1, 1]} : vector<1536x1xf32> to vector<128x1xf32>
      %mul3A_406 = vector.broadcast %slice3A_405 : vector<128x1xf32> to vector<128x64xf32>
      %mul3A_407 = arith.mulf %dot_general3A_404, %mul3A_406 : vector<128x64xf32>
      %convert_element_type3A_408 = arith.truncf %mul3A_407 : vector<128x64xf32> to vector<128x64xbf16>
      %slice3A_409 = vector.extract_strided_slice %exp3A {offsets = [1152, 0], sizes = [128, 256], strides = [1, 1]} : vector<1536x256xbf16> to vector<128x256xbf16>
      %slice3A_410 = vector.extract_strided_slice %concatenate3A_268 {offsets = [0, 576], sizes = [256, 64], strides = [1, 1]} : vector<256x768xbf16> to vector<256x64xbf16>
      %dot_general3A_411 = arith.constant dense<0.000000e+00> : vector<128x64xf32>
      %dot_general3A_412 = tpu.matmul %slice3A_409, %slice3A_410, %dot_general3A_411 {dimension_numbers = #tpu.dot_dimension_numbers<[1], [0], [0], [1], [0, 0, 1, 1], [], []>, transpose_lhs_hint = false} : vector<128x256xbf16>, vector<256x64xbf16>, vector<128x64xf32> -> vector<128x64xf32>
      %slice3A_413 = vector.extract_strided_slice %div3A_336 {offsets = [1152, 0], sizes = [128, 1], strides = [1, 1]} : vector<1536x1xf32> to vector<128x1xf32>
      %mul3A_414 = vector.broadcast %slice3A_413 : vector<128x1xf32> to vector<128x64xf32>
      %mul3A_415 = arith.mulf %dot_general3A_412, %mul3A_414 : vector<128x64xf32>
      %convert_element_type3A_416 = arith.truncf %mul3A_415 : vector<128x64xf32> to vector<128x64xbf16>
      %slice3A_417 = vector.extract_strided_slice %exp3A {offsets = [1280, 0], sizes = [128, 256], strides = [1, 1]} : vector<1536x256xbf16> to vector<128x256xbf16>
      %slice3A_418 = vector.extract_strided_slice %concatenate3A_268 {offsets = [0, 640], sizes = [256, 64], strides = [1, 1]} : vector<256x768xbf16> to vector<256x64xbf16>
      %dot_general3A_419 = arith.constant dense<0.000000e+00> : vector<128x64xf32>
      %dot_general3A_420 = tpu.matmul %slice3A_417, %slice3A_418, %dot_general3A_419 {dimension_numbers = #tpu.dot_dimension_numbers<[1], [0], [0], [1], [0, 0, 1, 1], [], []>, transpose_lhs_hint = false} : vector<128x256xbf16>, vector<256x64xbf16>, vector<128x64xf32> -> vector<128x64xf32>
      %slice3A_421 = vector.extract_strided_slice %div3A_336 {offsets = [1280, 0], sizes = [128, 1], strides = [1, 1]} : vector<1536x1xf32> to vector<128x1xf32>
      %mul3A_422 = vector.broadcast %slice3A_421 : vector<128x1xf32> to vector<128x64xf32>
      %mul3A_423 = arith.mulf %dot_general3A_420, %mul3A_422 : vector<128x64xf32>
      %convert_element_type3A_424 = arith.truncf %mul3A_423 : vector<128x64xf32> to vector<128x64xbf16>
      %slice3A_425 = vector.extract_strided_slice %exp3A {offsets = [1408, 0], sizes = [128, 256], strides = [1, 1]} : vector<1536x256xbf16> to vector<128x256xbf16>
      %slice3A_426 = vector.extract_strided_slice %concatenate3A_268 {offsets = [0, 704], sizes = [256, 64], strides = [1, 1]} : vector<256x768xbf16> to vector<256x64xbf16>
      %dot_general3A_427 = arith.constant dense<0.000000e+00> : vector<128x64xf32>
      %dot_general3A_428 = tpu.matmul %slice3A_425, %slice3A_426, %dot_general3A_427 {dimension_numbers = #tpu.dot_dimension_numbers<[1], [0], [0], [1], [0, 0, 1, 1], [], []>, transpose_lhs_hint = false} : vector<128x256xbf16>, vector<256x64xbf16>, vector<128x64xf32> -> vector<128x64xf32>
      %slice3A_429 = vector.extract_strided_slice %div3A_336 {offsets = [1408, 0], sizes = [128, 1], strides = [1, 1]} : vector<1536x1xf32> to vector<128x1xf32>
      %mul3A_430 = vector.broadcast %slice3A_429 : vector<128x1xf32> to vector<128x64xf32>
      %mul3A_431 = arith.mulf %dot_general3A_428, %mul3A_430 : vector<128x64xf32>
      %convert_element_type3A_432 = arith.truncf %mul3A_431 : vector<128x64xf32> to vector<128x64xbf16>
      %concatenate3A_433 = tpu.concatenate %convert_element_type3A_344, %convert_element_type3A_352, %convert_element_type3A_360, %convert_element_type3A_368, %convert_element_type3A_376, %convert_element_type3A_384, %convert_element_type3A_392, %convert_element_type3A_400, %convert_element_type3A_408, %convert_element_type3A_416, %convert_element_type3A_424, %convert_element_type3A_432 in 1 : vector<128x64xbf16>, vector<128x64xbf16>, vector<128x64xbf16>, vector<128x64xbf16>, vector<128x64xbf16>, vector<128x64xbf16>, vector<128x64xbf16>, vector<128x64xbf16>, vector<128x64xbf16>, vector<128x64xbf16>, vector<128x64xbf16>, vector<128x64xbf16> -> vector<128x768xbf16>
      %swap3A_434 = arith.index_cast %mul3A_247 : i32 to index
      %swap3A_435 = arith.constant 0 : index
      %swap3A_436 = vector.load %arg18[%swap3A_434, %swap3A_435] : memref<2048x768xbf16, #tpu.memory_space<vmem>>, vector<128x768xbf16>
      tpu.vector_store %arg18[%swap3A_434, %swap3A_435], %concatenate3A_433 {strides = array<i32>} : memref<2048x768xbf16, #tpu.memory_space<vmem>>, vector<128x768xbf16>,
    }
    %scan3A_118 = arith.constant 16 : i32
    %eq3A_119 = arith.constant 1 : i32
    %eq3A_120 = arith.cmpi eq, %arg0, %eq3A_119 : i32
    %jit3A = arith.constant 4.000000e-01 : f32
    %jit3A_121 = arith.constant 1.000000e-01 : f32
    %select_n3A = arith.select %eq3A_120, %jit3A, %jit3A_121 : f32
    %eq3A_122 = arith.constant 2 : i32
    %eq3A_123 = arith.cmpi eq, %arg0, %eq3A_122 : i32
    %jit3A_124 = arith.constant 0.699999988 : f32
    %select_n3A_125 = arith.select %eq3A_123, %jit3A_124, %select_n3A : f32
    %eq3A_126 = arith.constant 3 : i32
    %eq3A_127 = arith.cmpi eq, %arg0, %eq3A_126 : i32
    %jit3A_128 = arith.constant 0.899999976 : f32
    %select_n3A_129 = arith.select %eq3A_127, %jit3A_128, %select_n3A_125 : f32
    %get3A_130 = arith.constant 0 : index
    %get3A_131 = arith.constant 0 : index
    %get3A_132 = vector.load %arg18[%get3A_130, %get3A_131] : memref<2048x768xbf16, #tpu.memory_space<vmem>>, vector<1024x768xbf16>
    %get3A_133 = arith.constant 0 : index
    %get3A_134 = arith.constant 0 : index
    %get3A_135 = arith.constant 0 : index
    %get3A_136 = vector.load %arg4[%get3A_133, %get3A_134, %get3A_135] : memref<1x768x768xbf16, #tpu.memory_space<vmem>>, vector<1x768x768xbf16>
    %get3A_137 = vector.shape_cast %get3A_136 : vector<1x768x768xbf16> to vector<768x768xbf16>
    %dot_general3A_138 = arith.constant dense<0.000000e+00> : vector<1024x768xf32>
    %dot_general3A_139 = tpu.matmul %get3A_132, %get3A_137, %dot_general3A_138 {dimension_numbers = #tpu.dot_dimension_numbers<[1], [0], [0], [1], [0, 0, 1, 1], [], []>, transpose_lhs_hint = false} : vector<1024x768xbf16>, vector<768x768xbf16>, vector<1024x768xf32> -> vector<1024x768xf32>
    %get3A_140 = arith.constant 0 : index
    %get3A_141 = arith.constant 0 : index
    %get3A_142 = vector.load %arg14[%get3A_140, %get3A_141] : memref<2048x768xf32, #tpu.memory_space<vmem>>, vector<1024x768xf32>
    %add3A_143 = arith.addf %get3A_142, %dot_general3A_139 : vector<1024x768xf32>
    %reduce_sum3A = arith.constant dense<0.000000e+00> : vector<1024xf32>
    %reduce_sum3A_144 = vector.multi_reduction <add>, %add3A_143, %reduce_sum3A [1] : vector<1024x768xf32> to vector<1024xf32>
    %broadcast_in_dim3A = vector.shape_cast %reduce_sum3A_144 : vector<1024xf32> to vector<1024x1xf32>
    %div3A = arith.constant 7.680000e+02 : f32
    %div3A_145 = vector.broadcast %div3A : f32 to vector<1024x1xf32>
    %div3A_146 = arith.divf %broadcast_in_dim3A, %div3A_145 : vector<1024x1xf32>
    %sub3A = vector.broadcast %div3A_146 : vector<1024x1xf32> to vector<1024x768xf32>
    %sub3A_147 = arith.subf %add3A_143, %sub3A : vector<1024x768xf32>
    %mul3A_148 = arith.mulf %sub3A_147, %sub3A_147 : vector<1024x768xf32>
    %reduce_sum3A_149 = arith.constant dense<0.000000e+00> : vector<1024xf32>
    %reduce_sum3A_150 = vector.multi_reduction <add>, %mul3A_148, %reduce_sum3A_149 [1] : vector<1024x768xf32> to vector<1024xf32>
    %broadcast_in_dim3A_151 = vector.shape_cast %reduce_sum3A_150 : vector<1024xf32> to vector<1024x1xf32>
    %div3A_152 = arith.constant 7.680000e+02 : f32
    %div3A_153 = vector.broadcast %div3A_152 : f32 to vector<1024x1xf32>
    %div3A_154 = arith.divf %broadcast_in_dim3A_151, %div3A_153 : vector<1024x1xf32>
    %add3A_155 = arith.constant 9.99999974E-6 : f32
    %add3A_156 = vector.broadcast %add3A_155 : f32 to vector<1024x1xf32>
    %add3A_157 = arith.addf %div3A_154, %add3A_156 : vector<1024x1xf32>
    %sqrt3A = math.sqrt %add3A_157 : vector<1024x1xf32>
    %div3A_158 = vector.broadcast %sqrt3A : vector<1024x1xf32> to vector<1024x768xf32>
    %div3A_159 = arith.divf %sub3A_147, %div3A_158 : vector<1024x768xf32>
    %get3A_160 = arith.constant 0 : index
    %get3A_161 = arith.constant 0 : index
    %get3A_162 = vector.load %arg8[%get3A_160, %get3A_161] : memref<1x768xf32, #tpu.memory_space<vmem>>, vector<1x768xf32>
    %mul3A_163 = vector.broadcast %get3A_162 : vector<1x768xf32> to vector<1024x768xf32>
    %mul3A_164 = arith.mulf %div3A_159, %mul3A_163 : vector<1024x768xf32>
    %get3A_165 = arith.constant 0 : index
    %get3A_166 = arith.constant 0 : index
    %get3A_167 = vector.load %arg9[%get3A_165, %get3A_166] : memref<1x768xf32, #tpu.memory_space<vmem>>, vector<1x768xf32>
    %add3A_168 = vector.broadcast %get3A_167 : vector<1x768xf32> to vector<1024x768xf32>
    %add3A_169 = arith.addf %mul3A_164, %add3A_168 : vector<1024x768xf32>
    %get3A_170 = arith.constant 0 : index
    %get3A_171 = arith.constant 0 : index
    %get3A_172 = arith.constant 0 : index
    %get3A_173 = vector.load %arg5[%get3A_170, %get3A_171, %get3A_172] : memref<1x2048x768xf32, #tpu.memory_space<vmem>>, vector<1x1024x768xf32>
    %get3A_174 = vector.shape_cast %get3A_173 : vector<1x1024x768xf32> to vector<1024x768xf32>
    %mul3A_175 = vector.broadcast %select_n3A_129 : f32 to vector<1024x768xf32>
    %mul3A_176 = arith.mulf %mul3A_175, %get3A_174 : vector<1024x768xf32>
    %add3A_177 = arith.addf %add3A_169, %mul3A_176 : vector<1024x768xf32>
    %swap3A_178 = arith.constant 0 : index
    %swap3A_179 = arith.constant 0 : index
    %swap3A_180 = vector.load %arg14[%swap3A_178, %swap3A_179] : memref<2048x768xf32, #tpu.memory_space<vmem>>, vector<1024x768xf32>
    tpu.vector_store %arg14[%swap3A_178, %swap3A_179], %add3A_177 {strides = array<i32>} : memref<2048x768xf32, #tpu.memory_space<vmem>>, vector<1024x768xf32>,
    %convert_element_type3A_181 = arith.truncf %add3A_177 : vector<1024x768xf32> to vector<1024x768xbf16>
    %swap3A_182 = arith.constant 0 : index
    %swap3A_183 = arith.constant 0 : index
    %swap3A_184 = vector.load %arg13[%swap3A_182, %swap3A_183] : memref<2048x768xbf16, #tpu.memory_space<vmem>>, vector<1024x768xbf16>
    tpu.vector_store %arg13[%swap3A_182, %swap3A_183], %convert_element_type3A_181 {strides = array<i32>} : memref<2048x768xbf16, #tpu.memory_space<vmem>>, vector<1024x768xbf16>,
    %get3A_185 = arith.constant 1024 : index
    %get3A_186 = arith.constant 0 : index
    %get3A_187 = vector.load %arg18[%get3A_185, %get3A_186] : memref<2048x768xbf16, #tpu.memory_space<vmem>>, vector<1024x768xbf16>
    %get3A_188 = arith.constant 0 : index
    %get3A_189 = arith.constant 0 : index
    %get3A_190 = arith.constant 0 : index
    %get3A_191 = vector.load %arg4[%get3A_188, %get3A_189, %get3A_190] : memref<1x768x768xbf16, #tpu.memory_space<vmem>>, vector<1x768x768xbf16>
    %get3A_192 = vector.shape_cast %get3A_191 : vector<1x768x768xbf16> to vector<768x768xbf16>
    %dot_general3A_193 = arith.constant dense<0.000000e+00> : vector<1024x768xf32>
    %dot_general3A_194 = tpu.matmul %get3A_187, %get3A_192, %dot_general3A_193 {dimension_numbers = #tpu.dot_dimension_numbers<[1], [0], [0], [1], [0, 0, 1, 1], [], []>, transpose_lhs_hint = false} : vector<1024x768xbf16>, vector<768x768xbf16>, vector<1024x768xf32> -> vector<1024x768xf32>
    %get3A_195 = arith.constant 1024 : index
    %get3A_196 = arith.constant 0 : index
    %get3A_197 = vector.load %arg14[%get3A_195, %get3A_196] : memref<2048x768xf32, #tpu.memory_space<vmem>>, vector<1024x768xf32>
    %add3A_198 = arith.addf %get3A_197, %dot_general3A_194 : vector<1024x768xf32>
    %reduce_sum3A_199 = arith.constant dense<0.000000e+00> : vector<1024xf32>
    %reduce_sum3A_200 = vector.multi_reduction <add>, %add3A_198, %reduce_sum3A_199 [1] : vector<1024x768xf32> to vector<1024xf32>
    %broadcast_in_dim3A_201 = vector.shape_cast %reduce_sum3A_200 : vector<1024xf32> to vector<1024x1xf32>
    %div3A_202 = arith.constant 7.680000e+02 : f32
    %div3A_203 = vector.broadcast %div3A_202 : f32 to vector<1024x1xf32>
    %div3A_204 = arith.divf %broadcast_in_dim3A_201, %div3A_203 : vector<1024x1xf32>
    %sub3A_205 = vector.broadcast %div3A_204 : vector<1024x1xf32> to vector<1024x768xf32>
    %sub3A_206 = arith.subf %add3A_198, %sub3A_205 : vector<1024x768xf32>
    %mul3A_207 = arith.mulf %sub3A_206, %sub3A_206 : vector<1024x768xf32>
    %reduce_sum3A_208 = arith.constant dense<0.000000e+00> : vector<1024xf32>
    %reduce_sum3A_209 = vector.multi_reduction <add>, %mul3A_207, %reduce_sum3A_208 [1] : vector<1024x768xf32> to vector<1024xf32>
    %broadcast_in_dim3A_210 = vector.shape_cast %reduce_sum3A_209 : vector<1024xf32> to vector<1024x1xf32>
    %div3A_211 = arith.constant 7.680000e+02 : f32
    %div3A_212 = vector.broadcast %div3A_211 : f32 to vector<1024x1xf32>
    %div3A_213 = arith.divf %broadcast_in_dim3A_210, %div3A_212 : vector<1024x1xf32>
    %add3A_214 = arith.constant 9.99999974E-6 : f32
    %add3A_215 = vector.broadcast %add3A_214 : f32 to vector<1024x1xf32>
    %add3A_216 = arith.addf %div3A_213, %add3A_215 : vector<1024x1xf32>
    %sqrt3A_217 = math.sqrt %add3A_216 : vector<1024x1xf32>
    %div3A_218 = vector.broadcast %sqrt3A_217 : vector<1024x1xf32> to vector<1024x768xf32>
    %div3A_219 = arith.divf %sub3A_206, %div3A_218 : vector<1024x768xf32>
    %get3A_220 = arith.constant 0 : index
    %get3A_221 = arith.constant 0 : index
    %get3A_222 = vector.load %arg8[%get3A_220, %get3A_221] : memref<1x768xf32, #tpu.memory_space<vmem>>, vector<1x768xf32>
    %mul3A_223 = vector.broadcast %get3A_222 : vector<1x768xf32> to vector<1024x768xf32>
    %mul3A_224 = arith.mulf %div3A_219, %mul3A_223 : vector<1024x768xf32>
    %get3A_225 = arith.constant 0 : index
    %get3A_226 = arith.constant 0 : index
    %get3A_227 = vector.load %arg9[%get3A_225, %get3A_226] : memref<1x768xf32, #tpu.memory_space<vmem>>, vector<1x768xf32>
    %add3A_228 = vector.broadcast %get3A_227 : vector<1x768xf32> to vector<1024x768xf32>
    %add3A_229 = arith.addf %mul3A_224, %add3A_228 : vector<1024x768xf32>
    %get3A_230 = arith.constant 0 : index
    %get3A_231 = arith.constant 1024 : index
    %get3A_232 = arith.constant 0 : index
    %get3A_233 = vector.load %arg5[%get3A_230, %get3A_231, %get3A_232] : memref<1x2048x768xf32, #tpu.memory_space<vmem>>, vector<1x1024x768xf32>
    %get3A_234 = vector.shape_cast %get3A_233 : vector<1x1024x768xf32> to vector<1024x768xf32>
    %mul3A_235 = vector.broadcast %select_n3A_129 : f32 to vector<1024x768xf32>
    %mul3A_236 = arith.mulf %mul3A_235, %get3A_234 : vector<1024x768xf32>
    %add3A_237 = arith.addf %add3A_229, %mul3A_236 : vector<1024x768xf32>
    %swap3A_238 = arith.constant 1024 : index
    %swap3A_239 = arith.constant 0 : index
    %swap3A_240 = vector.load %arg14[%swap3A_238, %swap3A_239] : memref<2048x768xf32, #tpu.memory_space<vmem>>, vector<1024x768xf32>
    tpu.vector_store %arg14[%swap3A_238, %swap3A_239], %add3A_237 {strides = array<i32>} : memref<2048x768xf32, #tpu.memory_space<vmem>>, vector<1024x768xf32>,
    %convert_element_type3A_241 = arith.truncf %add3A_237 : vector<1024x768xf32> to vector<1024x768xbf16>
    %swap3A_242 = arith.constant 1024 : index
    %swap3A_243 = arith.constant 0 : index
    %swap3A_244 = vector.load %arg13[%swap3A_242, %swap3A_243] : memref<2048x768xbf16, #tpu.memory_space<vmem>>, vector<1024x768xbf16>
    tpu.vector_store %arg13[%swap3A_242, %swap3A_243], %convert_element_type3A_241 {strides = array<i32>} : memref<2048x768xbf16, #tpu.memory_space<vmem>>, vector<1024x768xbf16>,
    return
  }
  func.func @transform_0(%arg0: i32) -> (i32, i32, i32) {
    %c0_i32 = arith.constant 0 : i32
    %c0_i32_0 = arith.constant 0 : i32
    %c0_i32_1 = arith.constant 0 : i32
    return %arg0, %c0_i32, %c0_i32_0 : i32, i32, i32
  }
  func.func @transform_1(%arg0: i32) -> (i32, i32, i32) {
    %c0_i32 = arith.constant 0 : i32
    %c0_i32_0 = arith.constant 0 : i32
    %c0_i32_1 = arith.constant 0 : i32
    return %arg0, %c0_i32, %c0_i32_0 : i32, i32, i32
  }
  func.func @transform_2(%arg0: i32) -> (i32, i32, i32) {
    %c0_i32 = arith.constant 0 : i32
    %c0_i32_0 = arith.constant 0 : i32
    %c0_i32_1 = arith.constant 0 : i32
    return %arg0, %c0_i32, %c0_i32_0 : i32, i32, i32
  }
  func.func @transform_3(%arg0: i32) -> (i32, i32, i32) {
    %c0_i32 = arith.constant 0 : i32
    %c0_i32_0 = arith.constant 0 : i32
    %c0_i32_1 = arith.constant 0 : i32
    return %arg0, %c0_i32, %c0_i32_0 : i32, i32, i32
  }
  func.func @transform_4(%arg0: i32) -> (i32, i32, i32) {
    %c0_i32 = arith.constant 0 : i32
    %c0_i32_0 = arith.constant 0 : i32
    %c0_i32_1 = arith.constant 0 : i32
    return %arg0, %c0_i32, %c0_i32_0 : i32, i32, i32
  }
  func.func @transform_5(%arg0: i32) -> (i32, i32) {
    %c0_i32 = arith.constant 0 : i32
    %c0_i32_0 = arith.constant 0 : i32
    %c0_i32_1 = arith.constant 0 : i32
    return %c0_i32, %c0_i32_0 : i32, i32
  }
  func.func @transform_6(%arg0: i32) -> (i32, i32) {
    %c0_i32 = arith.constant 0 : i32
    %c0_i32_0 = arith.constant 0 : i32
    %c0_i32_1 = arith.constant 0 : i32
    return %c0_i32, %c0_i32_0 : i32, i32
  }
  func.func @transform_7(%arg0: i32) -> (i32, i32) {
    %c0_i32 = arith.constant 0 : i32
    %c0_i32_0 = arith.constant 0 : i32
    %c0_i32_1 = arith.constant 0 : i32
    return %c0_i32, %c0_i32_0 : i32, i32
  }
  func.func @transform_8(%arg0: i32) -> (i32, i32) {
    %c0_i32 = arith.constant 0 : i32
    %c0_i32_0 = arith.constant 0 : i32
    %c0_i32_1 = arith.constant 0 : i32
    return %c0_i32, %c0_i32_0 : i32, i32
  }
  func.func @transform_9(%arg0: i32) -> (i32, i32) {
    %c0_i32 = arith.constant 0 : i32
    %c0_i32_0 = arith.constant 0 : i32
    %c0_i32_1 = arith.constant 0 : i32
    return %c0_i32, %c0_i32_0 : i32, i32
  }
  func.func @transform_10(%arg0: i32) -> (i32, i32) {
    %c0_i32 = arith.constant 0 : i32
    %c0_i32_0 = arith.constant 0 : i32
    %c0_i32_1 = arith.constant 0 : i32
    return %c0_i32, %c0_i32_0 : i32, i32
  }
  func.func @transform_11(%arg0: i32) -> (i32, i32) {
    %c0_i32 = arith.constant 0 : i32
    %c0_i32_0 = arith.constant 0 : i32
    %c0_i32_1 = arith.constant 0 : i32
    return %c0_i32, %c0_i32_0 : i32, i32
  }
  func.func @transform_12(%arg0: i32) -> (i32, i32) {
    %c0_i32 = arith.constant 0 : i32
    %c0_i32_0 = arith.constant 0 : i32
    %c0_i32_1 = arith.constant 0 : i32
    return %c0_i32, %c0_i32_0 : i32, i32
  }
}

</mosaic_0001>

<sc_bundles>
// kernel: kernel.5.cloned.1.call-start
scs
__scs_entry_jumppad:
0x0: {  	(pc) =	sbr.rel $0x88, $3  }
0x1: {  	(tag) =	ssettag $0x0;
	lr =	simm.s32 $0x1  }
0x2: {  	[smem:$0x3F95] =	sst lr;
	_ =	strace $0xD0000000  }
0x3: {  	_ = 	snop  }
0x4: {  	_ = 	snop  }
0x5: {  	_ = 	snop  }
0x6: {  	_ = 	snop  }
0x7: {  	_ = 	snop  }
__scs_overlays_trampoline_lowered:
0x8: {  	[smem:$0x3FA4] =	sst s0  }
0x9: {  	[smem:$0x3FA5] =	sst s1  }
0xa: {  	[smem:$0x3FA6] =	sst s2  }
0xb: {  	[smem:$0x3FA7] =	sst s3  }
0xc: {  	[smem:$0x3FA8] =	sst s4  }
0xd: {  	[smem:$0x3FA9] =	sst s5  }
0xe: {  	[smem:$0x3FAA] =	sst s6  }
0xf: {  	[smem:$0x3FAB] =	sst s7  }
0x10: {  	[smem:$0x3FAC] =	sst s8  }
0x11: {  	[smem:$0x3FAD] =	sst s9;
	s0 =	simm.s32 @!p0 $0x0  }
0x12: {  	s1 =	sld [smem:$0x3F93];
	s0 =	simm.s32 @p0 $0x1  }
0x13: {  	[smem:$0x3FAE] =	sst s0;
	s0 =	simm.s32 @!p1 $0x0  }
0x14: {  	s2 =	sld [smem:$0x3F92];
	s0 =	simm.s32 @p1 $0x1  }
0x15: {  	[smem:$0x3FAF] =	sst s0;
	s0 =	simm.s32 @!p2 $0x0  }
0x16: {  	s3 =	sld [smem:$0x3FDB];
	s0 =	simm.s32 @p2 $0x1  }
0x17: {  	s4 =	simm.s32 $0x1BF5;
	[smem:$0x3FB1] =	sst s0  }
0x18: {  	s0 =	sld [smem:$0x3F94];
	_ =	swait.ge [sflag:s4], $0x0  }
0x19: {  	s7 =	sld [smem:$0x3F95]  }
0x1a: {  	s8 =	sadd.s32 $0xFFFFE003, lr  }
0x1b: {  	s9 =	sadd.s32 $0xFFFFFEF7, lr;
	s5 =	simm.s32 $0xFFFFFFFF;
	p2 =	slt.u32 s8, $0xFFFFF086  }
0x1c: {  	p1 =	slt.u32 s9, $0xF7A;
	s5 =	simm.s32 @!p2 $0x0  }
0x1d: {  	s5 =	simm.s32 @p1 $0x1;
	p0 =	seq.s32 s7, s2  }
0x1e: {  	s7 =	smul.u32 @!p0 $0xF7A, s2;
	p2 =	seq.s32 @!p0 s5, $0x0  }
0x1f: {  	s9 =	smul.u32 $0xF7A, s1;
	s8 =	simm.s32 @!p0 $0x1BF5;
	p2 =	por !p2, p0  }
0x20: {  	[sflag:s8] =	ssyncset.s32 @!p0 $0xFFFFF086;
	s6 =	sadd.s32 @!p0 s3, s7;
	s7 =	simm.s32 @!p0 $0x108  }
0x21: {  	s3 =	sadd.s32 s3, s9;
	s6 =	sadd.s32 @!p0 $0x88, s6;
	s7 =	simm.s32 @p2 $0x1082  }
0x22: {  	[simem:s7], [sflag:s8] =	dma.local @!p0 [hbm:s6], $0xF7A  }
0x23: {  	s9 =	sor.u32 $0xD0000000, s2;
	s6 =	simm.s32 $0x108;
	_ =	swait.ge @!p0 [sflag:s8], $0x0  }
0x24: {  	s3 =	sadd.s32 $0x88, s3;
	s6 =	simm.s32 @!p1 $0x1082;
	[sflag:s4] =	ssyncset.s32 $0xFFFFF086  }
0x25: {  	[simem:s6], [sflag:s4] =	dma.local [hbm:s3], $0xF7A  }
0x26: {  	[smem:$0x3F95] =	sst s1;
	(tag) =	ssettag s2;
	_ =	strace s9  }
0x27: {  	s1 =	sld [smem:$0x3FA5]  }
0x28: {  	s2 =	sld [smem:$0x3FA6]  }
0x29: {  	s4 =	sld [smem:$0x3FA8]  }
0x2a: {  	p0 =	seq.s32 s5, $0x0;
	s5 =	sld [smem:$0x3FA9]  }
0x2b: {  	s6 =	sld [smem:$0x3FAA]  }
0x2c: {  	s7 =	sld [smem:$0x3FAB]  }
0x2d: {  	s3 =	simm.s32 $0x108;
	s8 =	sld [smem:$0x3FAC]  }
0x2e: {  	s3 =	simm.s32 @!p0 $0x1082;
	s9 =	sld [smem:$0x3FAD]  }
0x2f: {  	lr =	sadd.s32 s0, s3;
	s0 =	sld [smem:$0x3FA4]  }
0x30: {  	s3 =	sld [smem:$0x3FA7]  }
0x31: {  	[smem:$0x3FB0] =	sst s10  }
0x32: {  	s10 =	sld [smem:$0x3FAE];
	_ =	sdelay $0x3  }
0x33: {  	p0 =	seq.s32 s10, $0x1;
	s10 =	sld [smem:$0x3FB0];
	_ =	sdelay $0x3  }
0x34: {  	[smem:$0x3FB0] =	sst s10  }
0x35: {  	s10 =	sld [smem:$0x3FAF];
	_ =	sdelay $0x3  }
0x36: {  	p1 =	seq.s32 s10, $0x1;
	s10 =	sld [smem:$0x3FB0];
	_ =	sdelay $0x3  }
0x37: {  	[smem:$0x3FB0] =	sst s10  }
0x38: {  	s10 =	sld [smem:$0x3FB1]  }
0x39: {  	_ = 	snop;
	(pc) =	sbr.ind lr, $3  }
0x3a: {  	_ = 	snop  }
0x3b: {  	_ = 	snop  }
0x3c: {  	p2 =	seq.s32 s10, $0x1;
	s10 =	sld [smem:$0x3FB0]  }
0x3d: {  	_ =	shalt  }
0x3e: {  	_ =	shalt  }
0x3f: {  	_ =	shalt  }
0x40: {  	_ =	shalt  }
0x41: {  	_ =	shalt  }
0x42: {  	_ =	shalt  }
0x43: {  	_ =	shalt  }
0x44: {  	_ =	shalt  }
0x45: {  	_ =	shalt  }
0x46: {  	_ =	shalt  }
0x47: {  	_ =	shalt  }
0x48: {  	_ =	shalt  }
0x49: {  	_ =	shalt  }
0x4a: {  	_ =	shalt  }
0x4b: {  	_ =	shalt  }
0x4c: {  	_ =	shalt  }
0x4d: {  	_ =	shalt  }
0x4e: {  	_ =	shalt  }
0x4f: {  	_ =	shalt  }
0x50: {  	_ =	shalt  }
0x51: {  	_ =	shalt  }
0x52: {  	_ =	shalt  }
0x53: {  	_ =	shalt  }
0x54: {  	_ =	shalt  }
0x55: {  	_ =	shalt  }
0x56: {  	_ =	shalt  }
0x57: {  	_ =	shalt  }
0x58: {  	_ =	shalt  }
0x59: {  	_ =	shalt  }
0x5a: {  	_ =	shalt  }
0x5b: {  	_ =	shalt  }
0x5c: {  	_ =	shalt  }
0x5d: {  	_ =	shalt  }
0x5e: {  	_ =	shalt  }
0x5f: {  	_ =	shalt  }
0x60: {  	_ =	shalt  }
0x61: {  	_ =	shalt  }
0x62: {  	_ =	shalt  }
0x63: {  	_ =	shalt  }
0x64: {  	_ =	shalt  }
0x65: {  	_ =	shalt  }
0x66: {  	_ =	shalt  }
0x67: {  	_ =	shalt  }
0x68: {  	_ =	shalt  }
0x69: {  	_ =	shalt  }
0x6a: {  	_ =	shalt  }
0x6b: {  	_ =	shalt  }
0x6c: {  	_ =	shalt  }
0x6d: {  	_ =	shalt  }
0x6e: {  	_ =	shalt  }
0x6f: {  	_ =	shalt  }
0x70: {  	_ =	shalt  }
0x71: {  	_ =	shalt  }
0x72: {  	_ =	shalt  }
0x73: {  	_ =	shalt  }
0x74: {  	_ =	shalt  }
0x75: {  	_ =	shalt  }
0x76: {  	_ =	shalt  }
0x77: {  	_ =	shalt  }
0x78: {  	_ =	shalt  }
0x79: {  	_ =	shalt  }
0x7a: {  	_ =	shalt  }
0x7b: {  	_ =	shalt  }
0x7c: {  	_ =	shalt  }
0x7d: {  	_ =	shalt  }
0x7e: {  	_ =	shalt  }
0x7f: {  	_ =	shalt  }
0x80: {  	_ =	shalt  }
0x81: {  	_ =	shalt  }
0x82: {  	_ =	shalt  }
0x83: {  	_ =	shalt  }
0x84: {  	_ =	shalt  }
0x85: {  	_ =	shalt  }
0x86: {  	_ =	shalt  }
0x87: {  	_ =	shalt  }
.Lfunc_end0:
.L_simem_size_0:
called_computation_lowered:
.L_overlay_start_0:
0x88: {  	s2 =	sld [smem:$0x3FD9]  }
0x89: {  	s3 =	sld [smem:$0x3FFE];
	_ =	sdelay $0x1  }
0x8a: {  	s1 =	srdreg.scid  }
0x8b: {  	s0 =	sand.u32 $0x1, s1  }
0x8c: {  	s18 =	sshll.u32 s0, $0xA;
	s2 =	sadd.s32 s3, s2  }
0x8d: {  	s2 =	sadd.s32 s2, s18  }
0x8e: {  	[smem:$0x3FBC] =	sst s2  }
0x8f: {  	_ = 	snop  }
0x90: {  	s2 =	sld [smem:$0x3FC9]  }
0x91: {  	s19 =	sld [smem:$0x3FC8]  }
0x92: {  	s4 =	sld [smem:$0x3FD0];
	(tm) =	ssettm $0x1  }
0x93: {  	s5 =	sld [smem:$0x3FFB];
	_ =	sdelay $0x3  }
0x94: {  	_ =	strace s5  }
0x95: {  	s5 =	sld [smem:$0x3FFC];
	_ =	sdelay $0x3  }
0x96: {  	_ =	strace s5  }
0x97: {  	s5 =	sld [smem:$0x3FFD];
	_ =	sdelay $0x3  }
0x98: {  	_ =	strace s5  }
0x99: {  	_ =	strace $0x8FFFFFFF  }
0x9a: {  	s20 =	sld [smem:$0x3FDB];
	_ =	sdelay $0x1  }
0x9b: {  	s6 =	simm.s32 $_scs_section_size  }
0x9c: {  	s7 =	simm.s32 $_size__tile_overlayer_lowered;
	s8 =	simm.s32 $_tile_overlayer_lowered  }
0x9d: {  	s23 =	simm.s32 $0x1BFF;
	s22 =	sshll.u32 s8, $0x1;
	s5 =	sadd.s32 s6, s20  }
0x9e: {  	s9 =	simm.s32 $0x0;
	s21 =	sshll.u32 s7, $0x1;
	s7 =	sadd.s32 s22, s5  }
0x9f: {  	[timem:s9], [sflag:s23] =	dma.local [hbm:s7], s21  }
0xa0: {  	_ =	swait.ge [sflag:s23], s21  }
0xa1: {  	s6 =	ssub.s32 $0x0, s21;
	[sflag:s23] =	ssyncset.done $0x0  }
0xa2: {  	[sflag:s23] =	ssyncadd.s32 s6;
	_ =	sdelay $0x1  }
0xa3: {  	s24 =	simm.s32 $0x1B8B  }
0xa4: {  	_ =	swait.ge [sflag:s24], $0x1  }
0xa5: {  	[sflag:s24] =	ssyncset.done $0x0  }
0xa6: {  	s25 =	simm.s32 $0x1B8E;
	[sflag:s24] =	ssyncadd.s32 $0xFFFFFFFF  }
0xa7: {  	s26 =	simm.s32 $execute0_lowered;
	[smem:$0x3FD2] =	sst s25  }
0xa8: {  	s6 =	sshll.u32 s26, $0x1;
	_ =	strace $0x80000046;
	[dreg:$0x1] =	wrdreg $0xFFFFFFFF  }
0xa9: {  	s28 =	simm.s32 $_size_execute0_lowered;
	s5 =	sadd.s32 s5, s6;
	[dreg:$0x0] =	wrdreg $0x0  }
0xaa: {  	s6 =	sshll.u32 s28, $0x1;
	[dreg:$0x2] =	wrdreg s5  }
0xab: {  	[dreg:$0x3] =	wrdreg s6  }
0xac: {  	[dreg:$0x4] =	wrdreg $0xC0  }
0xad: {  	_ =	task [dreg:s9], $0x5FFFF  }
0xae: {  	[dreg:$0x1] =	wrdreg $0xFFFFFFFF  }
0xaf: {  	[dreg:$0x0] =	wrdreg $0x60  }
0xb0: {  	[dreg:$0x2] =	wrdreg s19  }
0xb1: {  	[dreg:$0x3] =	wrdreg s2  }
0xb2: {  	[dreg:$0x4] =	wrdreg s4  }
0xb3: {  	[dreg:$0x5] =	wrdreg $0x9  }
0xb4: {  	_ =	task.clear_ibuf [dreg:s9], $0x6FFFF;
	_ =	strace $0x90000046  }
0xb5: {  	s29 =	simm.s32 $0x9;
	_ =	strace $0x80000048  }
0xb6: {  	_ =	swait.ge [sflag:s29], $0x1  }
0xb7: {  	[sflag:s29] =	ssyncadd.s32 $0xFFFFFFFF  }
0xb8: {  	_ =	strace $0x90000048  }
0xb9: {  	_ =	sfence  }
0xba: {  	s30 =	sld [smem:$0x0];
	_ =	sdelay $0x2  }
0xbb: {  	s31 =	sshll.u32 s1, $0xD;
	s1 =	sshrl.u32 s1, $0x2  }
0xbc: {  	s3 =	sand.u32 $0x4000, s31;
	s1 =	sadd.s32 s1, s30  }
0xbd: {  	s0 =	sor.u32 s3, s0;
	s1 =	sshll.u32 s1, $0x11  }
0xbe: {  	s0 =	sor.u32 s1, s0  }
0xbf: {  	s0 =	sadd.s32 $0x8F2B, s0  }
0xc0: {  	[sflag:s0] =	ssyncadd.remote.s32 $0x1  }
0xc1: {  	_ =	sfence.sel $0xFFFF  }
0xc2: {  	[dreg:$0x0] =	wrdreg $0xFFFFFFFF;
	(pc) =	sbr.abs _section_cstart, $3  }
0xc3: {  	[dreg:$0x1] =	wrdreg $0xFFFFFFFF  }
0xc4: {  	_ =	task.clear_ibuf [dreg:s9], $0x2FFFF;
	_ =	strace $0x9FFFFFFF  }
0xc5: {  	(tm) =	ssettm $0x7FFFFFFF  }
tec
execute0_lowered:
.L_overlay_start_1:
0x0: {  	(tag) =	ssettag $0x1  }
0x1: {  	s1 =	rddreg [dreg:$0x0]  }
0x2: {  	s2 =	srdreg.scid;
	s4 =	rddreg [dreg:$0x1]  }
0x3: {  	s0 =	stileid.u32;
	s5 =	rddreg [dreg:$0x2]  }
0x4: {  	s3 =	simm.s32 $0x0;
	s25 =	simm.s32 $0x880;
	s26 =	simm.s32 $0x1080  }
0x5: {  	s10 =	simm.s32 $0x2080;
	s11 =	simm.s32 $0x2880;
	s12 =	simm.s32 $0x3080  }
0x6: {  	s13 =	simm.s32 $0x3880;
	s14 =	simm.s32 $0x4080;
	s15 =	simm.s32 $0x4880  }
0x7: {  	s16 =	simm.s32 $0x5080;
	s17 =	simm.s32 $0x5880;
	s18 =	simm.s32 $0x6080  }
0x8: {  	s19 =	simm.s32 $0x6880;
	s20 =	simm.s32 $0x7080;
	s21 =	simm.s32 $0x7880  }
0x9: {  	s22 =	simm.s32 $0x8080;
	s28 =	simm.s32 $0xA880;
	s29 =	simm.s32 $0xB080  }
0xa: {  	s30 =	simm.s32 $0xB880;
	s31 =	simm.s32 $0x1;
	s2 =	sand.u32 $0x1, s2  }
0xb: {  	s6 =	sshll.u32 s0, $0x4;
	[smem:$0x7FF] =	sst s3;
	s7 =	sshll.u32 s2, $0x3  }
0xc: {  	_ =	strace $0x80000047;
	s2 =	ssub.s32 $0x2, s2;
	[dreg:$0x7] =	wrdreg s25  }
0xd: {  	[dreg:$0x8] =	wrdreg s26;
	s25 =	simm.s32 $0x9880;
	s6 =	sor.u32 s7, s6  }
0xe: {  	s26 =	simm.s32 $0xA080;
	s9 =	sshrl.u32 s2, $0x1;
	s7 =	smul.u32 $0x1800, s6  }
0xf: {  	s8 =	smul.u32 $0x300, s6;
	s4 =	sadd.s32 s4, s6;
	s2 =	ssub.s32 s2, s9  }
0x10: {  	[dreg:$0x4] =	wrdreg s4;
	s4 =	sadd.s32 $0x100, s1;
	s23 =	sshrl.u32 s7, $0x3  }
0x11: {  	s24 =	sadd.s32 s5, s8;
	s7 =	simm.s32 $0x3;
	s8 =	simm.s32 $0x80  }
0x12: {  	v2 =	vlaneseq.u32;
	s5 =	sadd.s32 s5, s23;
	[dreg:$0x5] =	wrdreg s24;
	s23 =	simm.s32 $0x8880  }
0x13: {  	vm0 =	vmmov $0xffff;
	v1 =	vshrl.u32 v2, $0x3;
	s24 =	simm.s32 $0x9080;
	s6 =	sadd.s32 $0xC00, s5;
	s5 =	sadd.s32 $0x200, s1  }
0x14: {  	v0 =	vand.u32 $0x7, v2;
	v2 =	vor.u32 $0x8, v2;
	v1 =	vmul.u32 $0x8, v1;
	[dreg:$0x6] =	wrdreg s6;
	s6 =	smax.u32 s2, $0x1;
	s2 =	simm.s32 $0x2  }
.LBB2_1:
0x15: {  	s0 =	rddreg [dreg:$0x4]  }
0x16: {  	[tilespmem:s3], [sflag:$0x3] =	stream.linear.gather [hbm4b:s0+s3], $0x40, $0x38;
	[tilespmem:$0xC080] =	vst v63  }
0x17: {  	_ =	swait.ge [sflag:s7], $0x40  }
0x18: {  	[sflag:s7] =	ssyncset.done $0x0  }
0x19: {  	[sflag:s7] =	ssyncadd.s32 $0xFFFFFFC0  }
0x1a: {  	v3 =	vld [tilespmem:$0x0];
	_ =	sdelay $0x4  }
0x1b: {  	v4 =	vshrl.u32 v3, $0x3  }
0x1c: {  	v4 =	vmul.u32 $0x30, v4  }
0x1d: {  	v3 =	vand.u32 $0x7, v3  }
0x1e: {  	v3 =	vor.u32 v3, v4  }
0x1f: {  	v4 =	vperm.xlane v3, v0;
	_ =	sdelay $0x1  }
0x20: {  	v4 =	vadd.s32 v1, v4;
	_ =	sdelay $0x3  }
0x21: {  	v3 =	vperm.xlane v3, v2  }
0x22: {  	[tilespmem:s8], [sflag:$0x1] =	stream.indirect_vreg.gather [hbm4b:s1+s3], $0x80, v4, vm0, $0xb8;
	[tilespmem:$0xC080] =	vst v63  }
0x23: {  	s0 =	rddreg [dreg:$0x7];
	v3 =	vadd.s32 v1, v3  }
0x24: {  	[tilespmem:s0], [sflag:$0x1] =	stream.indirect_vreg.gather [hbm4b:s4+s3], $0x80, v4, vm0, $0xb8;
	[tilespmem:$0xC080] =	vst v63  }
0x25: {  	s9 =	rddreg [dreg:$0x8]  }
0x26: {  	[tilespmem:s9], [sflag:$0x1] =	stream.indirect_vreg.gather [hbm4b:s5+s3], $0x80, v4, vm0, $0xb8;
	[tilespmem:$0xC080] =	vst v63  }
0x27: {  	s9 =	simm.s32 $0x1880  }
0x28: {  	[tilespmem:s9], [sflag:$0x1] =	stream.indirect_vreg.gather [hbm4b:s1+s3], $0x80, v3, vm0, $0xb8;
	[tilespmem:$0xC080] =	vst v63  }
0x29: {  	_ = 	snop  }
0x2a: {  	[tilespmem:s10], [sflag:$0x1] =	stream.indirect_vreg.gather [hbm4b:s4+s3], $0x80, v3, vm0, $0xb8;
	[tilespmem:$0xC080] =	vst v63  }
0x2b: {  	_ = 	snop  }
0x2c: {  	[tilespmem:s11], [sflag:$0x1] =	stream.indirect_vreg.gather [hbm4b:s5+s3], $0x80, v3, vm0, $0xb8;
	[tilespmem:$0xC080] =	vst v63  }
0x2d: {  	v3 =	vld [tilespmem:$0x10];
	_ =	sdelay $0x4  }
0x2e: {  	v61 =	vshrl.u32 v3, $0x3  }
0x2f: {  	v4 =	vmul.u32 $0x30, v61  }
0x30: {  	v3 =	vand.u32 $0x7, v3  }
0x31: {  	v3 =	vor.u32 v3, v4  }
0x32: {  	v4 =	vperm.xlane v3, v0;
	_ =	sdelay $0x1  }
0x33: {  	v4 =	vadd.s32 v1, v4;
	_ =	sdelay $0x3  }
0x34: {  	v3 =	vperm.xlane v3, v2  }
0x35: {  	[tilespmem:s12], [sflag:$0x1] =	stream.indirect_vreg.gather [hbm4b:s1+s3], $0x80, v4, vm0, $0xb8;
	[tilespmem:$0xC080] =	vst v63  }
0x36: {  	v3 =	vadd.s32 v1, v3  }
0x37: {  	[tilespmem:s13], [sflag:$0x1] =	stream.indirect_vreg.gather [hbm4b:s4+s3], $0x80, v4, vm0, $0xb8;
	[tilespmem:$0xC080] =	vst v63  }
0x38: {  	_ = 	snop  }
0x39: {  	[tilespmem:s14], [sflag:$0x1] =	stream.indirect_vreg.gather [hbm4b:s5+s3], $0x80, v4, vm0, $0xb8;
	[tilespmem:$0xC080] =	vst v63  }
0x3a: {  	_ = 	snop  }
0x3b: {  	[tilespmem:s15], [sflag:$0x1] =	stream.indirect_vreg.gather [hbm4b:s1+s3], $0x80, v3, vm0, $0xb8;
	[tilespmem:$0xC080] =	vst v63  }
0x3c: {  	_ = 	snop  }
0x3d: {  	[tilespmem:s16], [sflag:$0x1] =	stream.indirect_vreg.gather [hbm4b:s4+s3], $0x80, v3, vm0, $0xb8;
	[tilespmem:$0xC080] =	vst v63  }
0x3e: {  	_ = 	snop  }
0x3f: {  	[tilespmem:s17], [sflag:$0x1] =	stream.indirect_vreg.gather [hbm4b:s5+s3], $0x80, v3, vm0, $0xb8;
	[tilespmem:$0xC080] =	vst v63  }
0x40: {  	v3 =	vld [tilespmem:$0x20];
	_ =	sdelay $0x4  }
0x41: {  	v62 =	vshrl.u32 v3, $0x3  }
0x42: {  	v4 =	vmul.u32 $0x30, v62  }
0x43: {  	v3 =	vand.u32 $0x7, v3  }
0x44: {  	v3 =	vor.u32 v3, v4  }
0x45: {  	v4 =	vperm.xlane v3, v0;
	_ =	sdelay $0x1  }
0x46: {  	v4 =	vadd.s32 v1, v4;
	_ =	sdelay $0x3  }
0x47: {  	v3 =	vperm.xlane v3, v2  }
0x48: {  	[tilespmem:s18], [sflag:$0x2] =	stream.indirect_vreg.gather [hbm4b:s1+s3], $0x80, v4, vm0, $0xb8;
	[tilespmem:$0xC080] =	vst v63  }
0x49: {  	v3 =	vadd.s32 v1, v3  }
0x4a: {  	[tilespmem:s19], [sflag:$0x2] =	stream.indirect_vreg.gather [hbm4b:s4+s3], $0x80, v4, vm0, $0xb8;
	[tilespmem:$0xC080] =	vst v63  }
0x4b: {  	_ = 	snop  }
0x4c: {  	[tilespmem:s20], [sflag:$0x2] =	stream.indirect_vreg.gather [hbm4b:s5+s3], $0x80, v4, vm0, $0xb8;
	[tilespmem:$0xC080] =	vst v63  }
0x4d: {  	_ = 	snop  }
0x4e: {  	[tilespmem:s21], [sflag:$0x2] =	stream.indirect_vreg.gather [hbm4b:s1+s3], $0x80, v3, vm0, $0xb8;
	[tilespmem:$0xC080] =	vst v63  }
0x4f: {  	_ = 	snop  }
0x50: {  	[tilespmem:s22], [sflag:$0x2] =	stream.indirect_vreg.gather [hbm4b:s4+s3], $0x80, v3, vm0, $0xb8;
	[tilespmem:$0xC080] =	vst v63  }
0x51: {  	_ = 	snop  }
0x52: {  	[tilespmem:s23], [sflag:$0x2] =	stream.indirect_vreg.gather [hbm4b:s5+s3], $0x80, v3, vm0, $0xb8;
	[tilespmem:$0xC080] =	vst v63  }
0x53: {  	v3 =	vld [tilespmem:$0x30];
	_ =	sdelay $0x4  }
0x54: {  	v63 =	vshrl.u32 v3, $0x3  }
0x55: {  	v4 =	vmul.u32 $0x30, v63  }
0x56: {  	v3 =	vand.u32 $0x7, v3  }
0x57: {  	v3 =	vor.u32 v3, v4  }
0x58: {  	v4 =	vperm.xlane v3, v0;
	_ =	sdelay $0x1  }
0x59: {  	v4 =	vadd.s32 v1, v4;
	_ =	sdelay $0x3  }
0x5a: {  	v3 =	vperm.xlane v3, v2  }
0x5b: {  	[tilespmem:s24], [sflag:$0x2] =	stream.indirect_vreg.gather [hbm4b:s1+s3], $0x80, v4, vm0, $0xb8;
	[tilespmem:$0xC080] =	vst v63  }
0x5c: {  	v3 =	vadd.s32 v1, v3  }
0x5d: {  	[tilespmem:s25], [sflag:$0x2] =	stream.indirect_vreg.gather [hbm4b:s4+s3], $0x80, v4, vm0, $0xb8;
	[tilespmem:$0xC080] =	vst v63  }
0x5e: {  	_ = 	snop  }
0x5f: {  	[tilespmem:s26], [sflag:$0x2] =	stream.indirect_vreg.gather [hbm4b:s5+s3], $0x80, v4, vm0, $0xb8;
	[tilespmem:$0xC080] =	vst v63  }
0x60: {  	_ = 	snop  }
0x61: {  	[tilespmem:s28], [sflag:$0x2] =	stream.indirect_vreg.gather [hbm4b:s1+s3], $0x80, v3, vm0, $0xb8;
	[tilespmem:$0xC080] =	vst v63  }
0x62: {  	_ = 	snop  }
0x63: {  	[tilespmem:s29], [sflag:$0x2] =	stream.indirect_vreg.gather [hbm4b:s4+s3], $0x80, v3, vm0, $0xb8;
	[tilespmem:$0xC080] =	vst v63  }
0x64: {  	_ = 	snop  }
0x65: {  	[tilespmem:s30], [sflag:$0x2] =	stream.indirect_vreg.gather [hbm4b:s5+s3], $0x80, v3, vm0, $0xb8;
	[tilespmem:$0xC080] =	vst v63  }
0x66: {  	_ =	swait.ge [sflag:s31], $0x6000  }
0x67: {  	[sflag:s31] =	ssyncset.done $0x0  }
0x68: {  	s9 =	rddreg [dreg:$0x5];
	[sflag:s31] =	ssyncadd.s32 $0xFFFFA000  }
0x69: {  	[hbm4b:s9+s3] =	stream.linear.scatter [tilespmem:s8], [sflag:$0x3], $0x6000, $0x38;
	[tilespmem:$0xC080] =	vst v63  }
0x6a: {  	_ =	swait.ge [sflag:s7], $0x6000  }
0x6b: {  	[sflag:s7] =	ssyncset.done $0x0  }
0x6c: {  	[sflag:s7] =	ssyncadd.s32 $0xFFFFA000  }
0x6d: {  	_ =	swait.ge [sflag:s2], $0x6000  }
0x6e: {  	p0 =	sne.s32 s6, $0x1;
	[sflag:s2] =	ssyncset.done $0x0  }
.Ltmp0:
0x6f: {  	s9 =	rddreg [dreg:$0x6];
	[sflag:s2] =	ssyncadd.s32 $0xFFFFA000;
	(pc) =	sbr.rel @p0 .LBB2_1-.Ltmp0, $4  }
0x70: {  	[hbm4b:s9+s3] =	stream.linear.scatter [tilespmem:s18], [sflag:$0x3], $0x6000, $0x38;
	[tilespmem:$0xC080] =	vst v63  }
0x71: {  	_ =	swait.ge [sflag:s7], $0x6000  }
0x72: {  	[sflag:s7] =	ssyncset.done $0x0  }
0x73: {  	s6 =	sadd.s32 $0xFFFFFFFF, s6;
	[sflag:s7] =	ssyncadd.s32 $0xFFFFA000  }
0x74: {  	_ =	sfence.sel $0x180000  }
0x75: {  	[bflag:$0x0] =	sbarrier.arrive $0xFFFF  }
0x76: {  	_ =	strace $0x90000047  }
0x77: {  	s0 =	stileid.u32;
	[bflag:$0x2] =	sbarrier.arrive $0xFFFF  }
0x78: {  	p0 =	sne.s32 s0, $0x0;
	s0 =	rddreg [dreg:$0x3]  }
0x79: {  	s0 =	sadd.s32 @!p0 $0x100000, s0  }
0x7a: {  	[sflag:s0] =	ssyncadd.tile.s32 @!p0 $0x1;
	_ =	shalt  }
.Lfunc_end2:
_tile_overlayer_lowered:
.L_overlay_start_2:
0x7b: {  	(tag) =	ssettag $0x2  }
0x7c: {  	s0 =	rddreg [dreg:$0x0];
	s2 =	stileid.u32  }
0x7d: {  	s1 =	rddreg [dreg:$0x1];
	p0 =	sne.s32 s2, $0x0  }
0x7e: {  	s3 =	rddreg [dreg:$0x2];
	[bflag:$0x3] =	sbarrier.arrive $0xFFFF;
	s2 =	simm.s32 @!p0 $0x1C03  }
0x7f: {  	[timem:s3], [sflag:s2] =	dma.local @!p0 [hbm:s0], s1  }
0x80: {  	s0 =	simm.s32 @!p0 $0x3  }
0x81: {  	_ =	swait.ge @!p0 [sflag:s0], s1  }
0x82: {  	s1 =	ssub.s32 @!p0 $0x0, s1;
	[sflag:s0] =	ssyncset.done @!p0 $0x0  }
0x83: {  	[sflag:s0] =	ssyncadd.s32 @!p0 s1  }
0x84: {  	[bflag:$0x3] =	sbarrier.arrive $0xFFFF  }
0x85: {  	_ =	shalt  }

</sc_bundles>
